<compile_context>
chip_gen: v7x
topology: tpu7x:2x2x1
jax: 0.10.2.dev20260603
libtpu: 0.0.44.dev20260713+nightly
codegen_flags: <defaults>
</compile_context>

<pallas_src>
import functools

import jax
import jax.numpy as jnp
from jax import lax
from jax.experimental import pallas as pl
from jax.experimental.pallas import tpu as pltpu
from jax.experimental.pallas import tpu_sc as plsc

N = 10000
D = 128
DH = D // 2
E = 320000
NC = 2
NS = 16
K = 125
EPT = E // NS
NCH = EPT // K
HBINS = 10240
HSTRIPE = HBINS // NS
APAD = 10240
ASTRIPE = APAD // NS
HEPT = E // (NC * NS)
HNCH = HEPT // K


@functools.cache
def _sc_kernels():
    mesh = plsc.VectorSubcoreMesh(core_axis_name="c", subcore_axis_name="s")

    @functools.partial(
        pl.kernel,
        mesh=mesh,
        compiler_params=pltpu.CompilerParams(use_tc_tiling_on_sc=False),
        out_type=jax.ShapeDtypeStruct((NC * HBINS,), jnp.float32),
        scratch_types=[
            pltpu.VMEM((HNCH, K), jnp.int32),
            pltpu.VMEM((128,), jnp.float32),
            pltpu.VMEM((HSTRIPE,), jnp.float32),
            pltpu.VMEM_SHARED((HBINS,), jnp.float32),
        ],
    )
    def _deg_kernel(edge4, out, colv, onesv, zb, hist):
        cid = lax.axis_index("c")
        sid = lax.axis_index("s")
        pltpu.sync_copy(edge4.at[1, sid, pl.ds(cid * HNCH, HNCH)], colv)

        def _fill(i, _):
            onesv[pl.ds(i * 16, 16)] = jnp.ones((16,), jnp.float32)
            return 0

        lax.fori_loop(0, 8, _fill, 0)

        def _zero(i, _):
            zb[pl.ds(i * 16, 16)] = jnp.zeros((16,), jnp.float32)
            return 0

        lax.fori_loop(0, HSTRIPE // 16, _zero, 0)
        pltpu.sync_copy(zb, hist.at[pl.ds(sid * HSTRIPE, HSTRIPE)])
        plsc.subcore_barrier()

        def _add(j, _):
            pltpu.sync_copy(onesv.at[pl.ds(0, K)], hist.at[colv.at[j]], add=True)
            return 0

        lax.fori_loop(0, HNCH, _add, 0)
        plsc.subcore_barrier()
        pltpu.sync_copy(hist.at[pl.ds(sid * HSTRIPE, HSTRIPE)],
                        out.at[pl.ds(cid * HBINS + sid * HSTRIPE, HSTRIPE)])

    @functools.partial(
        pl.kernel,
        mesh=mesh,
        compiler_params=pltpu.CompilerParams(use_tc_tiling_on_sc=False),
        out_type=jax.ShapeDtypeStruct((NC, APAD, DH), jnp.float32),
        scratch_types=[
            pltpu.VMEM((NCH, K), jnp.int32),
            pltpu.VMEM((NCH, K), jnp.int32),
            pltpu.VMEM((K, DH), jnp.float32),
            pltpu.VMEM((K, DH), jnp.float32),
            pltpu.VMEM((128, DH), jnp.float32),
            pltpu.VMEM_SHARED((APAD, DH), jnp.float32),
            pltpu.SemaphoreType.DMA,
            pltpu.SemaphoreType.DMA,
        ],
    )
    def _agg_kernel(edge4, ya, yb, out, rowv, colv, buf0, buf1, zb,
                    acc, sg0, sg1):
        cid = lax.axis_index("c")
        sid = lax.axis_index("s")
        pltpu.sync_copy(edge4.at[0, sid], rowv)
        pltpu.sync_copy(edge4.at[1, sid], colv)

        def _zero(i, _):
            r = i // 4
            c = (i % 4) * 16
            zb[r, pl.ds(c, 16)] = jnp.zeros((16,), jnp.float32)
            return 0

        lax.fori_loop(0, 128 * 4, _zero, 0)
        for m in range(ASTRIPE // 128):
            pltpu.sync_copy(zb, acc.at[pl.ds(sid * ASTRIPE + m * 128, 128)])
        plsc.subcore_barrier()

        def _sweep(src):
            def _wait_g(buf, sem):
                pltpu.make_async_copy(src.at[rowv.at[0]], buf, sem).wait()

            pltpu.async_copy(src.at[rowv.at[0]], buf0, sg0)

            def _pair(t, _):
                j0 = 2 * t
                pltpu.async_copy(src.at[rowv.at[j0 + 1]], buf1, sg1)
                _wait_g(buf0, sg0)
                pltpu.sync_copy(buf0, acc.at[colv.at[j0]], add=True)

                @pl.when(j0 + 2 < NCH)
                def _():
                    pltpu.async_copy(src.at[rowv.at[j0 + 2]], buf0, sg0)

                _wait_g(buf1, sg1)
                pltpu.sync_copy(buf1, acc.at[colv.at[j0 + 1]], add=True)
                return 0

            lax.fori_loop(0, NCH // 2, _pair, 0)

        @pl.when(cid == 0)
        def _():
            _sweep(ya)

        @pl.when(cid == 1)
        def _():
            _sweep(yb)

        plsc.subcore_barrier()
        pltpu.sync_copy(acc.at[pl.ds(sid * ASTRIPE, ASTRIPE)],
                        out.at[cid, pl.ds(sid * ASTRIPE, ASTRIPE)])

    return _deg_kernel, _agg_kernel


RB = 1000


def _dot_t(a, w_ref):
    return lax.dot_general(a, w_ref[...], (((1,), (1,)), ((), ())),
                           preferred_element_type=jnp.float32)


def _lin_body(x_ref, wt_ref, dga_ref, dgb_ref, ya_ref, yb_ref, dinv_ref):
    xl = _dot_t(x_ref[...], wt_ref)
    deg = dga_ref[...] + dgb_ref[...] + 1.0
    dinv = lax.rsqrt(deg)
    y = dinv * xl
    ya_ref[...] = y[:, :DH]
    yb_ref[...] = y[:, DH:]
    dinv_ref[...] = dinv


def _dense_body(acca_ref, accb_ref, ya_ref, yb_ref, dinv_ref, bg_ref,
                wu1_ref, bu1_ref, wu2_ref, bu2_ref,
                wl1_ref, bl1_ref, wl2_ref, bl2_ref,
                wlu_ref, wll_ref, blast_ref, out_ref):
    dinv = dinv_ref[...]
    sl = dinv * (acca_ref[0] + ya_ref[...])
    sr = dinv * (accb_ref[0] + yb_ref[...])
    s = jnp.concatenate([sl, sr], axis=1) + bg_ref[...]
    fst = jnp.maximum(s, 0.0)
    u = _dot_t(fst, wu1_ref) + bu1_ref[...]
    u = _dot_t(u, wu2_ref) + bu2_ref[...]
    v = _dot_t(fst, wl1_ref) + bl1_ref[...]
    v = _dot_t(v, wl2_ref) + bl2_ref[...]
    last = _dot_t(u, wlu_ref) + _dot_t(v, wll_ref) + blast_ref[...]
    out_ref[...] = jnp.maximum(last, 0.0)


def _row_spec(w):
    return pl.BlockSpec((RB, w), lambda i: (i, 0))


def _full_spec(h, w):
    return pl.BlockSpec((h, w), lambda i: (0, 0))


def kernel(x, edge_index, W_lin, b_gcn, Wu1, bu1, Wu2, bu2,
           Wl1, bl1, Wl2, bl2, Wlast, blast):
    edge4 = edge_index.astype(jnp.int32).reshape(2, NS, NCH, K)

    _deg_kernel, _agg_kernel = _sc_kernels()
    deg2 = _deg_kernel(edge4)
    dga = deg2[:N].reshape(N, 1)
    dgb = deg2[HBINS:HBINS + N].reshape(N, 1)

    ya, yb, dinv = pl.pallas_call(
        _lin_body,
        grid=(N // RB,),
        in_specs=[_row_spec(D), _full_spec(D, D), _row_spec(1), _row_spec(1)],
        out_specs=[_row_spec(DH), _row_spec(DH), _row_spec(1)],
        out_shape=[jax.ShapeDtypeStruct((N, DH), jnp.float32),
                   jax.ShapeDtypeStruct((N, DH), jnp.float32),
                   jax.ShapeDtypeStruct((N, 1), jnp.float32)],
    )(x, W_lin, dga, dgb)

    acc2 = _agg_kernel(edge4, ya, yb)

    out = pl.pallas_call(
        _dense_body,
        grid=(N // RB,),
        in_specs=[pl.BlockSpec((1, RB, DH), lambda i: (0, i, 0)),
                  pl.BlockSpec((1, RB, DH), lambda i: (1, i, 0)),
                  _row_spec(DH), _row_spec(DH),
                  _row_spec(1),
                  _full_spec(1, D),
                  _full_spec(D, D), _full_spec(1, D),
                  _full_spec(D, D), _full_spec(1, D),
                  _full_spec(D, D), _full_spec(1, D),
                  _full_spec(D, D), _full_spec(1, D),
                  _full_spec(2 * D, D), _full_spec(2 * D, D),
                  _full_spec(1, 2 * D)],
        out_specs=_row_spec(2 * D),
        out_shape=jax.ShapeDtypeStruct((N, 2 * D), jnp.float32),
    )(acc2, acc2, ya, yb, dinv, b_gcn.reshape(1, D),
      Wu1, bu1.reshape(1, D), Wu2, bu2.reshape(1, D),
      Wl1, bl1.reshape(1, D), Wl2, bl2.reshape(1, D),
      Wlast[:, :D], Wlast[:, D:], blast.reshape(1, 2 * D))
    return out

# --- scband reference (transcript-rebuilt; emitter-appended) ---
"""Pipeline reference for scband-green-block-30906584662375 (READ-ONLY COPY).

The authoritative reference and input builder live on the scoring server;
editing this copy changes nothing except your own understanding.
"""

import jax, jax.numpy as jnp
import numpy as np

N, D, E = 10000, 128, 320000

def _lin_w(k, o, i):
    return (jax.random.normal(k, (o, i), dtype=jnp.float32) / np.sqrt(i)).astype(jnp.float32)

def setup_inputs(seed: int = 0):
    key = jax.random.key(seed)
    ks = jax.random.split(key, 16)
    x = jax.random.normal(ks[0], (N, D), dtype=jnp.float32)
    edge_index = jax.random.randint(ks[1], (2, E), 0, N, dtype=jnp.int64)
    W_lin = _lin_w(ks[2], D, D)
    b_gcn = jnp.zeros((D,), dtype=jnp.float32)
    Wu1 = _lin_w(ks[3], D, D); bu1 = 0.01 * jax.random.normal(ks[4], (D,), dtype=jnp.float32)
    Wu2 = _lin_w(ks[5], D, D); bu2 = 0.01 * jax.random.normal(ks[6], (D,), dtype=jnp.float32)
    Wl1 = _lin_w(ks[7], D, D); bl1 = 0.01 * jax.random.normal(ks[8], (D,), dtype=jnp.float32)
    Wl2 = _lin_w(ks[9], D, D); bl2 = 0.01 * jax.random.normal(ks[10], (D,), dtype=jnp.float32)
    Wlast = _lin_w(ks[11], 2 * D, 2 * D); blast = 0.01 * jax.random.normal(ks[12], (2 * D,), dtype=jnp.float32)
    return {"x": x, "edge_index": edge_index, "W_lin": W_lin, "b_gcn": b_gcn,
            "Wu1": Wu1, "bu1": bu1, "Wu2": Wu2, "bu2": bu2,
            "Wl1": Wl1, "bl1": bl1, "Wl2": Wl2, "bl2": bl2,
            "Wlast": Wlast, "blast": blast}

def reference(x, edge_index, W_lin, b_gcn, Wu1, bu1, Wu2, bu2, Wl1, bl1, Wl2, bl2, Wlast, blast):
    n = x.shape[0]
    loops = jnp.arange(n, dtype=edge_index.dtype)
    row = jnp.concatenate([edge_index[0], loops])
    col = jnp.concatenate([edge_index[1], loops])
    # GCNConv: linear transform
    xl = x @ W_lin.T
    # degree over destination nodes (col), incl. self-loops
    deg = jnp.zeros((n,), dtype=xl.dtype).at[col].add(1.0)
    dinv = jnp.where(deg > 0, deg ** -0.5, 0.0)
    norm = dinv[row] * dinv[col]
    # message = norm * x_j (gather from source row), aggregate add at col
    msgs = norm[:, None] * jnp.take(xl, row, axis=0)
    out = jnp.zeros_like(xl).at[col].add(msgs)
    out = out + b_gcn
    fst = jax.nn.relu(out)
    upper = (fst @ Wu1.T + bu1) @ Wu2.T + bu2
    lower = (fst @ Wl1.T + bl1) @ Wl2.T + bl2
    combined = jnp.concatenate([upper, lower], axis=1)
    last = combined @ Wlast.T + blast
    return jax.nn.relu(last)

if __name__ == "__main__":
    import jax
    _d = setup_inputs()
    print(jax.jit(kernel)(*tuple(_d.values())))

</pallas_src>

<mosaic_0001>
#map = affine_map<(d0, d1) -> (0, 0, 0, 0)>
#map1 = affine_map<(d0, d1) -> (0)>
module attributes {stable_mosaic.version = 14 : i64} {
  func.func @_deg_kernel(%arg0: i32, %arg1: i32, %arg2: memref<2x16x160x125xi32, #tpu.memory_space<hbm>>, %arg3: memref<20480xf32, #tpu.memory_space<hbm>>, %arg4: memref<80x125xi32, #tpu.memory_space<vmem>>, %arg5: memref<128xf32, #tpu.memory_space<vmem>>, %arg6: memref<640xf32, #tpu.memory_space<vmem>>, %arg7: memref<10240xf32, #tpu.memory_space<vmem_shared>>) attributes {dimension_semantics = [#tpu.dimension_semantics<core_parallel>, #tpu.dimension_semantics<subcore_parallel>], iteration_bounds = array<i64: 2, 16>, scalar_prefetch = 0 : i64, scratch_operands = 4 : i64, tpu.core_type = #tpu.core_type<sc_vector_subcore>, window_params = [{transform_indices = #map}, {transform_indices = #map1}]} {
    %mul3A = arith.constant 80 : i32
    %mul3A_0 = arith.muli %arg0, %mul3A : i32
    %run_scoped3A = arith.constant 1 : i32
    "tpu.region"() ({
      %run_scoped3A_30 = tpu.sem_alloc : memref<!tpu.dma_semaphore, #tpu.memory_space<semaphore_mem>>
      %dma_start3A = arith.constant 0 : i32
      %dma_start3A_31 = tpu.memref_slice %arg2[%run_scoped3A, %arg1, %mul3A_0, %dma_start3A] : memref<2x16x160x125xi32, #tpu.memory_space<hbm>> -> memref<1x1x80x125xi32, #tpu.memory_space<hbm>>
      %dma_start3A_32 = tpu.memref_squeeze %dma_start3A_31 : memref<1x1x80x125xi32, #tpu.memory_space<hbm>> -> memref<80x125xi32, #tpu.memory_space<hbm>>
      %dma_start3A_33 = arith.constant 0 : i32
      %dma_start3A_34 = tpu.memref_slice %arg2[%run_scoped3A, %arg1, %mul3A_0, %dma_start3A_33] : memref<2x16x160x125xi32, #tpu.memory_space<hbm>> -> memref<1x1x80x125xi32, #tpu.memory_space<hbm>>
      %dma_start3A_35 = tpu.memref_squeeze %dma_start3A_34 : memref<1x1x80x125xi32, #tpu.memory_space<hbm>> -> memref<80x125xi32, #tpu.memory_space<hbm>>
      tpu.enqueue_dma source(%dma_start3A_35 : memref<80x125xi32, #tpu.memory_space<hbm>>) target(%arg4 : memref<80x125xi32, #tpu.memory_space<vmem>>) target_semaphore(%run_scoped3A_30 : memref<!tpu.dma_semaphore, #tpu.memory_space<semaphore_mem>>)
      %dma_wait3A = arith.constant 0 : i32
      %dma_wait3A_36 = tpu.memref_slice %arg2[%run_scoped3A, %arg1, %mul3A_0, %dma_wait3A] : memref<2x16x160x125xi32, #tpu.memory_space<hbm>> -> memref<1x1x80x125xi32, #tpu.memory_space<hbm>>
      %dma_wait3A_37 = tpu.memref_squeeze %dma_wait3A_36 : memref<1x1x80x125xi32, #tpu.memory_space<hbm>> -> memref<80x125xi32, #tpu.memory_space<hbm>>
      %dma_wait3A_38 = arith.constant 0 : i32
      %dma_wait3A_39 = tpu.memref_slice %arg2[%run_scoped3A, %arg1, %mul3A_0, %dma_wait3A_38] : memref<2x16x160x125xi32, #tpu.memory_space<hbm>> -> memref<1x1x80x125xi32, #tpu.memory_space<hbm>>
      %dma_wait3A_40 = tpu.memref_squeeze %dma_wait3A_39 : memref<1x1x80x125xi32, #tpu.memory_space<hbm>> -> memref<80x125xi32, #tpu.memory_space<hbm>>
      tpu.wait_dma2 semaphore(%run_scoped3A_30 : memref<!tpu.dma_semaphore, #tpu.memory_space<semaphore_mem>>) src(%dma_wait3A_40 : memref<80x125xi32, #tpu.memory_space<hbm>>) dst(%arg4 : memref<80x125xi32, #tpu.memory_space<vmem>>)
      tpu.yield
    }) : () -> ()
    %scan3A = arith.constant 0 : i32
    %scan3A_1 = arith.constant 0 : i32
    %scan3A_2 = arith.constant 8 : i32
    %scan3A_3 = arith.addi %scan3A_1, %scan3A_2 : i32
    %scan3A_4 = arith.constant 1 : i32
    %scan3A_5 = scf.for %scan3A_30 = %scan3A_1 to %scan3A_3 step %scan3A_4 iter_args(%scan3A_31 = %scan3A) -> (i32)  : i32 {
      %broadcast_in_dim3A = arith.constant 1.000000e+00 : f32
      %broadcast_in_dim3A_32 = vector.broadcast %broadcast_in_dim3A : f32 to vector<16xf32>
      %mul3A_33 = arith.constant 16 : i32
      %mul3A_34 = arith.muli %scan3A_30, %mul3A_33 : i32
      %swap3A = arith.index_cast %mul3A_34 : i32 to index
      %swap3A_35 = tpu.vector_load %arg5[%swap3A] {strides = array<i32>} : memref<128xf32, #tpu.memory_space<vmem>>, vector<16xf32>,
      %swap3A_36 = vector.shape_cast %swap3A_35 : vector<16xf32> to vector<16xf32>
      %swap3A_37 = vector.shape_cast %broadcast_in_dim3A_32 : vector<16xf32> to vector<16xf32>
      tpu.vector_store %arg5[%swap3A], %swap3A_37 {strides = array<i32>} : memref<128xf32, #tpu.memory_space<vmem>>, vector<16xf32>,
      %scan3A_38 = arith.constant 0 : i32
      scf.yield %scan3A_38 : i32
    }
    %scan3A_6 = arith.constant 8 : i32
    %scan3A_7 = arith.constant 0 : i32
    %scan3A_8 = arith.constant 0 : i32
    %scan3A_9 = arith.constant 40 : i32
    %scan3A_10 = arith.addi %scan3A_8, %scan3A_9 : i32
    %scan3A_11 = arith.constant 1 : i32
    %scan3A_12 = scf.for %scan3A_30 = %scan3A_8 to %scan3A_10 step %scan3A_11 iter_args(%scan3A_31 = %scan3A_7) -> (i32)  : i32 {
      %broadcast_in_dim3A = arith.constant 0.000000e+00 : f32
      %broadcast_in_dim3A_32 = vector.broadcast %broadcast_in_dim3A : f32 to vector<16xf32>
      %mul3A_33 = arith.constant 16 : i32
      %mul3A_34 = arith.muli %scan3A_30, %mul3A_33 : i32
      %swap3A = arith.index_cast %mul3A_34 : i32 to index
      %swap3A_35 = tpu.vector_load %arg6[%swap3A] {strides = array<i32>} : memref<640xf32, #tpu.memory_space<vmem>>, vector<16xf32>,
      %swap3A_36 = vector.shape_cast %swap3A_35 : vector<16xf32> to vector<16xf32>
      %swap3A_37 = vector.shape_cast %broadcast_in_dim3A_32 : vector<16xf32> to vector<16xf32>
      tpu.vector_store %arg6[%swap3A], %swap3A_37 {strides = array<i32>} : memref<640xf32, #tpu.memory_space<vmem>>, vector<16xf32>,
      %scan3A_38 = arith.constant 0 : i32
      scf.yield %scan3A_38 : i32
    }
    %scan3A_13 = arith.constant 40 : i32
    %mul3A_14 = arith.constant 640 : i32
    %mul3A_15 = arith.muli %arg1, %mul3A_14 : i32
    "tpu.region"() ({
      %run_scoped3A_30 = tpu.sem_alloc : memref<!tpu.dma_semaphore, #tpu.memory_space<semaphore_mem>>
      %dma_start3A = tpu.memref_slice %arg7[%mul3A_15] : memref<10240xf32, #tpu.memory_space<vmem_shared>> -> memref<640xf32, #tpu.memory_space<vmem_shared>>
      %dma_start3A_31 = tpu.memref_slice %arg7[%mul3A_15] : memref<10240xf32, #tpu.memory_space<vmem_shared>> -> memref<640xf32, #tpu.memory_space<vmem_shared>>
      tpu.enqueue_dma source(%arg6 : memref<640xf32, #tpu.memory_space<vmem>>) target(%dma_start3A_31 : memref<640xf32, #tpu.memory_space<vmem_shared>>) target_semaphore(%run_scoped3A_30 : memref<!tpu.dma_semaphore, #tpu.memory_space<semaphore_mem>>)
      %dma_wait3A = tpu.memref_slice %arg7[%mul3A_15] : memref<10240xf32, #tpu.memory_space<vmem_shared>> -> memref<640xf32, #tpu.memory_space<vmem_shared>>
      %dma_wait3A_32 = tpu.memref_slice %arg7[%mul3A_15] : memref<10240xf32, #tpu.memory_space<vmem_shared>> -> memref<640xf32, #tpu.memory_space<vmem_shared>>
      tpu.wait_dma2 semaphore(%run_scoped3A_30 : memref<!tpu.dma_semaphore, #tpu.memory_space<semaphore_mem>>) src(%arg6 : memref<640xf32, #tpu.memory_space<vmem>>) dst(%dma_wait3A_32 : memref<640xf32, #tpu.memory_space<vmem_shared>>)
      tpu.yield
    }) : () -> ()
    %barrier3A = arith.constant 0 : index
    tpu.barrier barrier_id(%barrier3A)
    %scan3A_16 = arith.constant 0 : i32
    %scan3A_17 = arith.constant 0 : i32
    %scan3A_18 = arith.constant 80 : i32
    %scan3A_19 = arith.addi %scan3A_17, %scan3A_18 : i32
    %scan3A_20 = arith.constant 1 : i32
    %scan3A_21 = scf.for %scan3A_30 = %scan3A_17 to %scan3A_19 step %scan3A_20 iter_args(%scan3A_31 = %scan3A_16) -> (i32)  : i32 {
      "tpu.region"() ({
        %run_scoped3A_33 = tpu.sem_alloc : memref<!tpu.dma_semaphore, #tpu.memory_space<semaphore_mem>>
        %dma_start3A = arith.constant 0 : i32
        %dma_start3A_34 = tpu.memref_slice %arg5[%dma_start3A] : memref<128xf32, #tpu.memory_space<vmem>> -> memref<125xf32, #tpu.memory_space<vmem>>
        %dma_start3A_35 = arith.constant 0 : i32
        %dma_start3A_36 = tpu.memref_slice %arg4[%scan3A_30, %dma_start3A_35] : memref<80x125xi32, #tpu.memory_space<vmem>> -> memref<1x125xi32, #tpu.memory_space<vmem>>
        %dma_start3A_37 = tpu.memref_squeeze %dma_start3A_36 : memref<1x125xi32, #tpu.memory_space<vmem>> -> memref<125xi32, #tpu.memory_space<vmem>>
        %dma_start3A_38 = arith.constant 0 : i32
        %dma_start3A_39 = tpu.memref_slice %arg7[%dma_start3A_38] : memref<10240xf32, #tpu.memory_space<vmem_shared>> -> memref<10240xf32, #tpu.memory_space<vmem_shared>>
        tpu.enqueue_indirect_dma source(%dma_start3A_34 : memref<125xf32, #tpu.memory_space<vmem>>) target(%dma_start3A_39 : memref<10240xf32, #tpu.memory_space<vmem_shared>>) offsets(%dma_start3A_37 : memref<125xi32, #tpu.memory_space<vmem>>) semaphore(%run_scoped3A_33 : memref<!tpu.dma_semaphore, #tpu.memory_space<semaphore_mem>>) {add = true}
        %dma_wait3A = arith.constant 0 : i32
        %dma_wait3A_40 = tpu.memref_slice %arg5[%dma_wait3A] : memref<128xf32, #tpu.memory_space<vmem>> -> memref<125xf32, #tpu.memory_space<vmem>>
        %dma_wait3A_41 = arith.constant 0 : i32
        %dma_wait3A_42 = tpu.memref_slice %arg4[%scan3A_30, %dma_wait3A_41] : memref<80x125xi32, #tpu.memory_space<vmem>> -> memref<1x125xi32, #tpu.memory_space<vmem>>
        %dma_wait3A_43 = tpu.memref_squeeze %dma_wait3A_42 : memref<1x125xi32, #tpu.memory_space<vmem>> -> memref<125xi32, #tpu.memory_space<vmem>>
        %dma_wait3A_44 = arith.constant 0 : i32
        %dma_wait3A_45 = tpu.memref_slice %arg7[%dma_wait3A_44] : memref<10240xf32, #tpu.memory_space<vmem_shared>> -> memref<10240xf32, #tpu.memory_space<vmem_shared>>
        tpu.wait_indirect_dma semaphore(%run_scoped3A_33 : memref<!tpu.dma_semaphore, #tpu.memory_space<semaphore_mem>>) src(%dma_wait3A_40 : memref<125xf32, #tpu.memory_space<vmem>>) dst(%dma_wait3A_45 : memref<10240xf32, #tpu.memory_space<vmem_shared>>)
        tpu.yield
      }) : () -> ()
      %scan3A_32 = arith.constant 0 : i32
      scf.yield %scan3A_32 : i32
    }
    %scan3A_22 = arith.constant 80 : i32
    %barrier3A_23 = arith.constant 0 : index
    tpu.barrier barrier_id(%barrier3A_23)
    %mul3A_24 = arith.constant 640 : i32
    %mul3A_25 = arith.muli %arg1, %mul3A_24 : i32
    %mul3A_26 = arith.constant 10240 : i32
    %mul3A_27 = arith.muli %arg0, %mul3A_26 : i32
    %mul3A_28 = arith.constant 640 : i32
    %mul3A_29 = arith.muli %arg1, %mul3A_28 : i32
    %add3A = arith.addi %mul3A_27, %mul3A_29 : i32
    "tpu.region"() ({
      %run_scoped3A_30 = tpu.sem_alloc : memref<!tpu.dma_semaphore, #tpu.memory_space<semaphore_mem>>
      %dma_start3A = tpu.memref_slice %arg3[%add3A] : memref<20480xf32, #tpu.memory_space<hbm>> -> memref<640xf32, #tpu.memory_space<hbm>>
      %dma_start3A_31 = tpu.memref_slice %arg7[%mul3A_25] : memref<10240xf32, #tpu.memory_space<vmem_shared>> -> memref<640xf32, #tpu.memory_space<vmem_shared>>
      tpu.enqueue_dma source(%dma_start3A_31 : memref<640xf32, #tpu.memory_space<vmem_shared>>) target(%dma_start3A : memref<640xf32, #tpu.memory_space<hbm>>) target_semaphore(%run_scoped3A_30 : memref<!tpu.dma_semaphore, #tpu.memory_space<semaphore_mem>>)
      %dma_wait3A = tpu.memref_slice %arg3[%add3A] : memref<20480xf32, #tpu.memory_space<hbm>> -> memref<640xf32, #tpu.memory_space<hbm>>
      %dma_wait3A_32 = tpu.memref_slice %arg7[%mul3A_25] : memref<10240xf32, #tpu.memory_space<vmem_shared>> -> memref<640xf32, #tpu.memory_space<vmem_shared>>
      tpu.wait_dma2 semaphore(%run_scoped3A_30 : memref<!tpu.dma_semaphore, #tpu.memory_space<semaphore_mem>>) src(%dma_wait3A_32 : memref<640xf32, #tpu.memory_space<vmem_shared>>) dst(%dma_wait3A : memref<640xf32, #tpu.memory_space<hbm>>)
      tpu.yield
    }) : () -> ()
    return
  }
}

#map = affine_map<(d0, d1) -> (0, 0, 0, 0)>
#map1 = affine_map<(d0, d1) -> (0, 0)>
#map2 = affine_map<(d0, d1) -> (0, 0, 0)>
module attributes {stable_mosaic.version = 14 : i64} {
  func.func @_agg_kernel(%arg0: i32, %arg1: i32, %arg2: memref<2x16x160x125xi32, #tpu.memory_space<hbm>>, %arg3: memref<10000x64xf32, #tpu.memory_space<hbm>>, %arg4: memref<10000x64xf32, #tpu.memory_space<hbm>>, %arg5: memref<2x10240x64xf32, #tpu.memory_space<hbm>>, %arg6: memref<160x125xi32, #tpu.memory_space<vmem>>, %arg7: memref<160x125xi32, #tpu.memory_space<vmem>>, %arg8: memref<125x64xf32, #tpu.memory_space<vmem>>, %arg9: memref<125x64xf32, #tpu.memory_space<vmem>>, %arg10: memref<128x64xf32, #tpu.memory_space<vmem>>, %arg11: memref<10240x64xf32, #tpu.memory_space<vmem_shared>>, %arg12: memref<!tpu.dma_semaphore, #tpu.memory_space<semaphore_mem>>, %arg13: memref<!tpu.dma_semaphore, #tpu.memory_space<semaphore_mem>>) attributes {dimension_semantics = [#tpu.dimension_semantics<core_parallel>, #tpu.dimension_semantics<subcore_parallel>], iteration_bounds = array<i64: 2, 16>, scalar_prefetch = 0 : i64, scratch_operands = 8 : i64, tpu.core_type = #tpu.core_type<sc_vector_subcore>, window_params = [{transform_indices = #map}, {transform_indices = #map1}, {transform_indices = #map1}, {transform_indices = #map2}]} {
    %run_scoped3A = arith.constant 0 : i32
    "tpu.region"() ({
      %run_scoped3A_37 = tpu.sem_alloc : memref<!tpu.dma_semaphore, #tpu.memory_space<semaphore_mem>>
      %dma_start3A = arith.constant 0 : i32
      %dma_start3A_38 = arith.constant 0 : i32
      %dma_start3A_39 = tpu.memref_slice %arg2[%run_scoped3A, %arg1, %dma_start3A, %dma_start3A_38] : memref<2x16x160x125xi32, #tpu.memory_space<hbm>> -> memref<1x1x160x125xi32, #tpu.memory_space<hbm>>
      %dma_start3A_40 = tpu.memref_squeeze %dma_start3A_39 : memref<1x1x160x125xi32, #tpu.memory_space<hbm>> -> memref<160x125xi32, #tpu.memory_space<hbm>>
      %dma_start3A_41 = arith.constant 0 : i32
      %dma_start3A_42 = arith.constant 0 : i32
      %dma_start3A_43 = tpu.memref_slice %arg2[%run_scoped3A, %arg1, %dma_start3A_41, %dma_start3A_42] : memref<2x16x160x125xi32, #tpu.memory_space<hbm>> -> memref<1x1x160x125xi32, #tpu.memory_space<hbm>>
      %dma_start3A_44 = tpu.memref_squeeze %dma_start3A_43 : memref<1x1x160x125xi32, #tpu.memory_space<hbm>> -> memref<160x125xi32, #tpu.memory_space<hbm>>
      tpu.enqueue_dma source(%dma_start3A_44 : memref<160x125xi32, #tpu.memory_space<hbm>>) target(%arg6 : memref<160x125xi32, #tpu.memory_space<vmem>>) target_semaphore(%run_scoped3A_37 : memref<!tpu.dma_semaphore, #tpu.memory_space<semaphore_mem>>)
      %dma_wait3A = arith.constant 0 : i32
      %dma_wait3A_45 = arith.constant 0 : i32
      %dma_wait3A_46 = tpu.memref_slice %arg2[%run_scoped3A, %arg1, %dma_wait3A, %dma_wait3A_45] : memref<2x16x160x125xi32, #tpu.memory_space<hbm>> -> memref<1x1x160x125xi32, #tpu.memory_space<hbm>>
      %dma_wait3A_47 = tpu.memref_squeeze %dma_wait3A_46 : memref<1x1x160x125xi32, #tpu.memory_space<hbm>> -> memref<160x125xi32, #tpu.memory_space<hbm>>
      %dma_wait3A_48 = arith.constant 0 : i32
      %dma_wait3A_49 = arith.constant 0 : i32
      %dma_wait3A_50 = tpu.memref_slice %arg2[%run_scoped3A, %arg1, %dma_wait3A_48, %dma_wait3A_49] : memref<2x16x160x125xi32, #tpu.memory_space<hbm>> -> memref<1x1x160x125xi32, #tpu.memory_space<hbm>>
      %dma_wait3A_51 = tpu.memref_squeeze %dma_wait3A_50 : memref<1x1x160x125xi32, #tpu.memory_space<hbm>> -> memref<160x125xi32, #tpu.memory_space<hbm>>
      tpu.wait_dma2 semaphore(%run_scoped3A_37 : memref<!tpu.dma_semaphore, #tpu.memory_space<semaphore_mem>>) src(%dma_wait3A_51 : memref<160x125xi32, #tpu.memory_space<hbm>>) dst(%arg6 : memref<160x125xi32, #tpu.memory_space<vmem>>)
      tpu.yield
    }) : () -> ()
    %run_scoped3A_0 = arith.constant 1 : i32
    "tpu.region"() ({
      %run_scoped3A_37 = tpu.sem_alloc : memref<!tpu.dma_semaphore, #tpu.memory_space<semaphore_mem>>
      %dma_start3A = arith.constant 0 : i32
      %dma_start3A_38 = arith.constant 0 : i32
      %dma_start3A_39 = tpu.memref_slice %arg2[%run_scoped3A_0, %arg1, %dma_start3A, %dma_start3A_38] : memref<2x16x160x125xi32, #tpu.memory_space<hbm>> -> memref<1x1x160x125xi32, #tpu.memory_space<hbm>>
      %dma_start3A_40 = tpu.memref_squeeze %dma_start3A_39 : memref<1x1x160x125xi32, #tpu.memory_space<hbm>> -> memref<160x125xi32, #tpu.memory_space<hbm>>
      %dma_start3A_41 = arith.constant 0 : i32
      %dma_start3A_42 = arith.constant 0 : i32
      %dma_start3A_43 = tpu.memref_slice %arg2[%run_scoped3A_0, %arg1, %dma_start3A_41, %dma_start3A_42] : memref<2x16x160x125xi32, #tpu.memory_space<hbm>> -> memref<1x1x160x125xi32, #tpu.memory_space<hbm>>
      %dma_start3A_44 = tpu.memref_squeeze %dma_start3A_43 : memref<1x1x160x125xi32, #tpu.memory_space<hbm>> -> memref<160x125xi32, #tpu.memory_space<hbm>>
      tpu.enqueue_dma source(%dma_start3A_44 : memref<160x125xi32, #tpu.memory_space<hbm>>) target(%arg7 : memref<160x125xi32, #tpu.memory_space<vmem>>) target_semaphore(%run_scoped3A_37 : memref<!tpu.dma_semaphore, #tpu.memory_space<semaphore_mem>>)
      %dma_wait3A = arith.constant 0 : i32
      %dma_wait3A_45 = arith.constant 0 : i32
      %dma_wait3A_46 = tpu.memref_slice %arg2[%run_scoped3A_0, %arg1, %dma_wait3A, %dma_wait3A_45] : memref<2x16x160x125xi32, #tpu.memory_space<hbm>> -> memref<1x1x160x125xi32, #tpu.memory_space<hbm>>
      %dma_wait3A_47 = tpu.memref_squeeze %dma_wait3A_46 : memref<1x1x160x125xi32, #tpu.memory_space<hbm>> -> memref<160x125xi32, #tpu.memory_space<hbm>>
      %dma_wait3A_48 = arith.constant 0 : i32
      %dma_wait3A_49 = arith.constant 0 : i32
      %dma_wait3A_50 = tpu.memref_slice %arg2[%run_scoped3A_0, %arg1, %dma_wait3A_48, %dma_wait3A_49] : memref<2x16x160x125xi32, #tpu.memory_space<hbm>> -> memref<1x1x160x125xi32, #tpu.memory_space<hbm>>
      %dma_wait3A_51 = tpu.memref_squeeze %dma_wait3A_50 : memref<1x1x160x125xi32, #tpu.memory_space<hbm>> -> memref<160x125xi32, #tpu.memory_space<hbm>>
      tpu.wait_dma2 semaphore(%run_scoped3A_37 : memref<!tpu.dma_semaphore, #tpu.memory_space<semaphore_mem>>) src(%dma_wait3A_51 : memref<160x125xi32, #tpu.memory_space<hbm>>) dst(%arg7 : memref<160x125xi32, #tpu.memory_space<vmem>>)
      tpu.yield
    }) : () -> ()
    %scan3A = arith.constant 0 : i32
    %scan3A_1 = arith.constant 0 : i32
    %scan3A_2 = arith.constant 512 : i32
    %scan3A_3 = arith.addi %scan3A_1, %scan3A_2 : i32
    %scan3A_4 = arith.constant 1 : i32
    %scan3A_5 = scf.for %scan3A_37 = %scan3A_1 to %scan3A_3 step %scan3A_4 iter_args(%scan3A_38 = %scan3A) -> (i32)  : i32 {
      %jit3A = arith.constant 4 : i32
      %div3A = arith.divsi %scan3A_37, %jit3A : i32
      %sign3A = arith.constant 0 : i32
      %sign3A_39 = arith.cmpi sgt, %scan3A_37, %sign3A : i32
      %sign3A_40 = arith.extui %sign3A_39 : i1 to i32
      %sign3A_41 = arith.constant 0 : i32
      %sign3A_42 = arith.cmpi slt, %scan3A_37, %sign3A_41 : i32
      %sign3A_43 = arith.extui %sign3A_42 : i1 to i32
      %sign3A_44 = arith.subi %sign3A_40, %sign3A_43 : i32
      %sign3A_45 = arith.constant 0 : i32
      %sign3A_46 = arith.cmpi sgt, %jit3A, %sign3A_45 : i32
      %sign3A_47 = arith.extui %sign3A_46 : i1 to i32
      %sign3A_48 = arith.constant 0 : i32
      %sign3A_49 = arith.cmpi slt, %jit3A, %sign3A_48 : i32
      %sign3A_50 = arith.extui %sign3A_49 : i1 to i32
      %sign3A_51 = arith.subi %sign3A_47, %sign3A_50 : i32
      %ne3A = arith.cmpi ne, %sign3A_44, %sign3A_51 : i32
      %rem3A = arith.remsi %scan3A_37, %jit3A : i32
      %ne3A_52 = arith.constant 0 : i32
      %ne3A_53 = arith.cmpi ne, %rem3A, %ne3A_52 : i32
      %and3A = arith.andi %ne3A, %ne3A_53 : i1
      %sub3A = arith.constant 1 : i32
      %sub3A_54 = arith.subi %div3A, %sub3A : i32
      %select_n3A = arith.select %and3A, %sub3A_54, %div3A : i32
      %jit3A_55 = arith.constant 4 : i32
      %eq3A_56 = arith.constant 0 : i32
      %eq3A_57 = arith.cmpi eq, %jit3A_55, %eq3A_56 : i32
      %jit3A_58 = arith.constant 1 : i32
      %select_n3A_59 = arith.select %eq3A_57, %jit3A_58, %jit3A_55 : i32
      %rem3A_60 = arith.remsi %scan3A_37, %select_n3A_59 : i32
      %ne3A_61 = arith.constant 0 : i32
      %ne3A_62 = arith.cmpi ne, %rem3A_60, %ne3A_61 : i32
      %lt3A = arith.constant 0 : i32
      %lt3A_63 = arith.cmpi slt, %rem3A_60, %lt3A : i32
      %lt3A_64 = arith.constant 0 : i32
      %lt3A_65 = arith.cmpi slt, %select_n3A_59, %lt3A_64 : i32
      %ne3A_66 = arith.xori %lt3A_63, %lt3A_65 : i1
      %and3A_67 = arith.andi %ne3A_66, %ne3A_62 : i1
      %add3A_68 = arith.addi %rem3A_60, %select_n3A_59 : i32
      %select_n3A_69 = arith.select %and3A_67, %add3A_68, %rem3A_60 : i32
      %mul3A_70 = arith.constant 16 : i32
      %mul3A_71 = arith.muli %select_n3A_69, %mul3A_70 : i32
      %broadcast_in_dim3A = arith.constant 0.000000e+00 : f32
      %broadcast_in_dim3A_72 = vector.broadcast %broadcast_in_dim3A : f32 to vector<16xf32>
      %swap3A = arith.index_cast %select_n3A : i32 to index
      %swap3A_73 = arith.index_cast %mul3A_71 : i32 to index
      %swap3A_74 = tpu.vector_load %arg10[%swap3A, %swap3A_73] {strides = array<i32>} : memref<128x64xf32, #tpu.memory_space<vmem>>, vector<1x16xf32>,
      %swap3A_75 = vector.shape_cast %swap3A_74 : vector<1x16xf32> to vector<16xf32>
      %swap3A_76 = vector.shape_cast %broadcast_in_dim3A_72 : vector<16xf32> to vector<1x16xf32>
      tpu.vector_store %arg10[%swap3A, %swap3A_73], %swap3A_76 {strides = array<i32>} : memref<128x64xf32, #tpu.memory_space<vmem>>, vector<1x16xf32>,
      %scan3A_77 = arith.constant 0 : i32
      scf.yield %scan3A_77 : i32
    }
    %scan3A_6 = arith.constant 512 : i32
    %mul3A = arith.constant 640 : i32
    %mul3A_7 = arith.muli %arg1, %mul3A : i32
    %add3A = arith.constant 0 : i32
    %add3A_8 = arith.addi %mul3A_7, %add3A : i32
    "tpu.region"() ({
      %run_scoped3A_37 = tpu.sem_alloc : memref<!tpu.dma_semaphore, #tpu.memory_space<semaphore_mem>>
      %dma_start3A = arith.constant 0 : i32
      %dma_start3A_38 = tpu.memref_slice %arg11[%add3A_8, %dma_start3A] : memref<10240x64xf32, #tpu.memory_space<vmem_shared>> -> memref<128x64xf32, #tpu.memory_space<vmem_shared>>
      %dma_start3A_39 = arith.constant 0 : i32
      %dma_start3A_40 = tpu.memref_slice %arg11[%add3A_8, %dma_start3A_39] : memref<10240x64xf32, #tpu.memory_space<vmem_shared>> -> memref<128x64xf32, #tpu.memory_space<vmem_shared>>
      tpu.enqueue_dma source(%arg10 : memref<128x64xf32, #tpu.memory_space<vmem>>) target(%dma_start3A_40 : memref<128x64xf32, #tpu.memory_space<vmem_shared>>) target_semaphore(%run_scoped3A_37 : memref<!tpu.dma_semaphore, #tpu.memory_space<semaphore_mem>>)
      %dma_wait3A = arith.constant 0 : i32
      %dma_wait3A_41 = tpu.memref_slice %arg11[%add3A_8, %dma_wait3A] : memref<10240x64xf32, #tpu.memory_space<vmem_shared>> -> memref<128x64xf32, #tpu.memory_space<vmem_shared>>
      %dma_wait3A_42 = arith.constant 0 : i32
      %dma_wait3A_43 = tpu.memref_slice %arg11[%add3A_8, %dma_wait3A_42] : memref<10240x64xf32, #tpu.memory_space<vmem_shared>> -> memref<128x64xf32, #tpu.memory_space<vmem_shared>>
      tpu.wait_dma2 semaphore(%run_scoped3A_37 : memref<!tpu.dma_semaphore, #tpu.memory_space<semaphore_mem>>) src(%arg10 : memref<128x64xf32, #tpu.memory_space<vmem>>) dst(%dma_wait3A_43 : memref<128x64xf32, #tpu.memory_space<vmem_shared>>)
      tpu.yield
    }) : () -> ()
    %mul3A_9 = arith.constant 640 : i32
    %mul3A_10 = arith.muli %arg1, %mul3A_9 : i32
    %add3A_11 = arith.constant 128 : i32
    %add3A_12 = arith.addi %mul3A_10, %add3A_11 : i32
    "tpu.region"() ({
      %run_scoped3A_37 = tpu.sem_alloc : memref<!tpu.dma_semaphore, #tpu.memory_space<semaphore_mem>>
      %dma_start3A = arith.constant 0 : i32
      %dma_start3A_38 = tpu.memref_slice %arg11[%add3A_12, %dma_start3A] : memref<10240x64xf32, #tpu.memory_space<vmem_shared>> -> memref<128x64xf32, #tpu.memory_space<vmem_shared>>
      %dma_start3A_39 = arith.constant 0 : i32
      %dma_start3A_40 = tpu.memref_slice %arg11[%add3A_12, %dma_start3A_39] : memref<10240x64xf32, #tpu.memory_space<vmem_shared>> -> memref<128x64xf32, #tpu.memory_space<vmem_shared>>
      tpu.enqueue_dma source(%arg10 : memref<128x64xf32, #tpu.memory_space<vmem>>) target(%dma_start3A_40 : memref<128x64xf32, #tpu.memory_space<vmem_shared>>) target_semaphore(%run_scoped3A_37 : memref<!tpu.dma_semaphore, #tpu.memory_space<semaphore_mem>>)
      %dma_wait3A = arith.constant 0 : i32
      %dma_wait3A_41 = tpu.memref_slice %arg11[%add3A_12, %dma_wait3A] : memref<10240x64xf32, #tpu.memory_space<vmem_shared>> -> memref<128x64xf32, #tpu.memory_space<vmem_shared>>
      %dma_wait3A_42 = arith.constant 0 : i32
      %dma_wait3A_43 = tpu.memref_slice %arg11[%add3A_12, %dma_wait3A_42] : memref<10240x64xf32, #tpu.memory_space<vmem_shared>> -> memref<128x64xf32, #tpu.memory_space<vmem_shared>>
      tpu.wait_dma2 semaphore(%run_scoped3A_37 : memref<!tpu.dma_semaphore, #tpu.memory_space<semaphore_mem>>) src(%arg10 : memref<128x64xf32, #tpu.memory_space<vmem>>) dst(%dma_wait3A_43 : memref<128x64xf32, #tpu.memory_space<vmem_shared>>)
      tpu.yield
    }) : () -> ()
    %mul3A_13 = arith.constant 640 : i32
    %mul3A_14 = arith.muli %arg1, %mul3A_13 : i32
    %add3A_15 = arith.constant 256 : i32
    %add3A_16 = arith.addi %mul3A_14, %add3A_15 : i32
    "tpu.region"() ({
      %run_scoped3A_37 = tpu.sem_alloc : memref<!tpu.dma_semaphore, #tpu.memory_space<semaphore_mem>>
      %dma_start3A = arith.constant 0 : i32
      %dma_start3A_38 = tpu.memref_slice %arg11[%add3A_16, %dma_start3A] : memref<10240x64xf32, #tpu.memory_space<vmem_shared>> -> memref<128x64xf32, #tpu.memory_space<vmem_shared>>
      %dma_start3A_39 = arith.constant 0 : i32
      %dma_start3A_40 = tpu.memref_slice %arg11[%add3A_16, %dma_start3A_39] : memref<10240x64xf32, #tpu.memory_space<vmem_shared>> -> memref<128x64xf32, #tpu.memory_space<vmem_shared>>
      tpu.enqueue_dma source(%arg10 : memref<128x64xf32, #tpu.memory_space<vmem>>) target(%dma_start3A_40 : memref<128x64xf32, #tpu.memory_space<vmem_shared>>) target_semaphore(%run_scoped3A_37 : memref<!tpu.dma_semaphore, #tpu.memory_space<semaphore_mem>>)
      %dma_wait3A = arith.constant 0 : i32
      %dma_wait3A_41 = tpu.memref_slice %arg11[%add3A_16, %dma_wait3A] : memref<10240x64xf32, #tpu.memory_space<vmem_shared>> -> memref<128x64xf32, #tpu.memory_space<vmem_shared>>
      %dma_wait3A_42 = arith.constant 0 : i32
      %dma_wait3A_43 = tpu.memref_slice %arg11[%add3A_16, %dma_wait3A_42] : memref<10240x64xf32, #tpu.memory_space<vmem_shared>> -> memref<128x64xf32, #tpu.memory_space<vmem_shared>>
      tpu.wait_dma2 semaphore(%run_scoped3A_37 : memref<!tpu.dma_semaphore, #tpu.memory_space<semaphore_mem>>) src(%arg10 : memref<128x64xf32, #tpu.memory_space<vmem>>) dst(%dma_wait3A_43 : memref<128x64xf32, #tpu.memory_space<vmem_shared>>)
      tpu.yield
    }) : () -> ()
    %mul3A_17 = arith.constant 640 : i32
    %mul3A_18 = arith.muli %arg1, %mul3A_17 : i32
    %add3A_19 = arith.constant 384 : i32
    %add3A_20 = arith.addi %mul3A_18, %add3A_19 : i32
    "tpu.region"() ({
      %run_scoped3A_37 = tpu.sem_alloc : memref<!tpu.dma_semaphore, #tpu.memory_space<semaphore_mem>>
      %dma_start3A = arith.constant 0 : i32
      %dma_start3A_38 = tpu.memref_slice %arg11[%add3A_20, %dma_start3A] : memref<10240x64xf32, #tpu.memory_space<vmem_shared>> -> memref<128x64xf32, #tpu.memory_space<vmem_shared>>
      %dma_start3A_39 = arith.constant 0 : i32
      %dma_start3A_40 = tpu.memref_slice %arg11[%add3A_20, %dma_start3A_39] : memref<10240x64xf32, #tpu.memory_space<vmem_shared>> -> memref<128x64xf32, #tpu.memory_space<vmem_shared>>
      tpu.enqueue_dma source(%arg10 : memref<128x64xf32, #tpu.memory_space<vmem>>) target(%dma_start3A_40 : memref<128x64xf32, #tpu.memory_space<vmem_shared>>) target_semaphore(%run_scoped3A_37 : memref<!tpu.dma_semaphore, #tpu.memory_space<semaphore_mem>>)
      %dma_wait3A = arith.constant 0 : i32
      %dma_wait3A_41 = tpu.memref_slice %arg11[%add3A_20, %dma_wait3A] : memref<10240x64xf32, #tpu.memory_space<vmem_shared>> -> memref<128x64xf32, #tpu.memory_space<vmem_shared>>
      %dma_wait3A_42 = arith.constant 0 : i32
      %dma_wait3A_43 = tpu.memref_slice %arg11[%add3A_20, %dma_wait3A_42] : memref<10240x64xf32, #tpu.memory_space<vmem_shared>> -> memref<128x64xf32, #tpu.memory_space<vmem_shared>>
      tpu.wait_dma2 semaphore(%run_scoped3A_37 : memref<!tpu.dma_semaphore, #tpu.memory_space<semaphore_mem>>) src(%arg10 : memref<128x64xf32, #tpu.memory_space<vmem>>) dst(%dma_wait3A_43 : memref<128x64xf32, #tpu.memory_space<vmem_shared>>)
      tpu.yield
    }) : () -> ()
    %mul3A_21 = arith.constant 640 : i32
    %mul3A_22 = arith.muli %arg1, %mul3A_21 : i32
    %add3A_23 = arith.constant 512 : i32
    %add3A_24 = arith.addi %mul3A_22, %add3A_23 : i32
    "tpu.region"() ({
      %run_scoped3A_37 = tpu.sem_alloc : memref<!tpu.dma_semaphore, #tpu.memory_space<semaphore_mem>>
      %dma_start3A = arith.constant 0 : i32
      %dma_start3A_38 = tpu.memref_slice %arg11[%add3A_24, %dma_start3A] : memref<10240x64xf32, #tpu.memory_space<vmem_shared>> -> memref<128x64xf32, #tpu.memory_space<vmem_shared>>
      %dma_start3A_39 = arith.constant 0 : i32
      %dma_start3A_40 = tpu.memref_slice %arg11[%add3A_24, %dma_start3A_39] : memref<10240x64xf32, #tpu.memory_space<vmem_shared>> -> memref<128x64xf32, #tpu.memory_space<vmem_shared>>
      tpu.enqueue_dma source(%arg10 : memref<128x64xf32, #tpu.memory_space<vmem>>) target(%dma_start3A_40 : memref<128x64xf32, #tpu.memory_space<vmem_shared>>) target_semaphore(%run_scoped3A_37 : memref<!tpu.dma_semaphore, #tpu.memory_space<semaphore_mem>>)
      %dma_wait3A = arith.constant 0 : i32
      %dma_wait3A_41 = tpu.memref_slice %arg11[%add3A_24, %dma_wait3A] : memref<10240x64xf32, #tpu.memory_space<vmem_shared>> -> memref<128x64xf32, #tpu.memory_space<vmem_shared>>
      %dma_wait3A_42 = arith.constant 0 : i32
      %dma_wait3A_43 = tpu.memref_slice %arg11[%add3A_24, %dma_wait3A_42] : memref<10240x64xf32, #tpu.memory_space<vmem_shared>> -> memref<128x64xf32, #tpu.memory_space<vmem_shared>>
      tpu.wait_dma2 semaphore(%run_scoped3A_37 : memref<!tpu.dma_semaphore, #tpu.memory_space<semaphore_mem>>) src(%arg10 : memref<128x64xf32, #tpu.memory_space<vmem>>) dst(%dma_wait3A_43 : memref<128x64xf32, #tpu.memory_space<vmem_shared>>)
      tpu.yield
    }) : () -> ()
    %barrier3A = arith.constant 0 : index
    tpu.barrier barrier_id(%barrier3A)
    %eq3A = arith.constant 0 : i32
    %eq3A_25 = arith.cmpi eq, %arg0, %eq3A : i32
    %convert_element_type3A = arith.extui %eq3A_25 : i1 to i32
    %cond3A = arith.constant 0 : i32
    %cond3A_26 = arith.cmpi ne, %convert_element_type3A, %cond3A : i32
    scf.if %cond3A_26 {
      %dma_start3A = arith.constant 0 : i32
      %dma_start3A_37 = arith.constant 0 : i32
      %dma_start3A_38 = tpu.memref_slice %arg6[%dma_start3A, %dma_start3A_37] : memref<160x125xi32, #tpu.memory_space<vmem>> -> memref<1x125xi32, #tpu.memory_space<vmem>>
      %dma_start3A_39 = tpu.memref_squeeze %dma_start3A_38 : memref<1x125xi32, #tpu.memory_space<vmem>> -> memref<125xi32, #tpu.memory_space<vmem>>
      %dma_start3A_40 = arith.constant 0 : i32
      %dma_start3A_41 = arith.constant 0 : i32
      %dma_start3A_42 = tpu.memref_slice %arg3[%dma_start3A_40, %dma_start3A_41] : memref<10000x64xf32, #tpu.memory_space<hbm>> -> memref<10000x64xf32, #tpu.memory_space<hbm>>
      tpu.enqueue_indirect_dma source(%dma_start3A_42 : memref<10000x64xf32, #tpu.memory_space<hbm>>) target(%arg8 : memref<125x64xf32, #tpu.memory_space<vmem>>) offsets(%dma_start3A_39 : memref<125xi32, #tpu.memory_space<vmem>>) semaphore(%arg12 : memref<!tpu.dma_semaphore, #tpu.memory_space<semaphore_mem>>)
      %scan3A_43 = arith.constant 0 : i32
      %scan3A_44 = arith.constant 0 : i32
      %scan3A_45 = arith.constant 80 : i32
      %scan3A_46 = arith.addi %scan3A_44, %scan3A_45 : i32
      %scan3A_47 = arith.constant 1 : i32
      %scan3A_48 = scf.for %scan3A_50 = %scan3A_44 to %scan3A_46 step %scan3A_47 iter_args(%scan3A_51 = %scan3A_43) -> (i32)  : i32 {
        %mul3A_52 = arith.constant 2 : i32
        %mul3A_53 = arith.muli %mul3A_52, %scan3A_50 : i32
        %add3A_54 = arith.constant 1 : i32
        %add3A_55 = arith.addi %mul3A_53, %add3A_54 : i32
        %dma_start3A_56 = arith.constant 0 : i32
        %dma_start3A_57 = tpu.memref_slice %arg6[%add3A_55, %dma_start3A_56] : memref<160x125xi32, #tpu.memory_space<vmem>> -> memref<1x125xi32, #tpu.memory_space<vmem>>
        %dma_start3A_58 = tpu.memref_squeeze %dma_start3A_57 : memref<1x125xi32, #tpu.memory_space<vmem>> -> memref<125xi32, #tpu.memory_space<vmem>>
        %dma_start3A_59 = arith.constant 0 : i32
        %dma_start3A_60 = arith.constant 0 : i32
        %dma_start3A_61 = tpu.memref_slice %arg3[%dma_start3A_59, %dma_start3A_60] : memref<10000x64xf32, #tpu.memory_space<hbm>> -> memref<10000x64xf32, #tpu.memory_space<hbm>>
        tpu.enqueue_indirect_dma source(%dma_start3A_61 : memref<10000x64xf32, #tpu.memory_space<hbm>>) target(%arg9 : memref<125x64xf32, #tpu.memory_space<vmem>>) offsets(%dma_start3A_58 : memref<125xi32, #tpu.memory_space<vmem>>) semaphore(%arg13 : memref<!tpu.dma_semaphore, #tpu.memory_space<semaphore_mem>>)
        %dma_wait3A = arith.constant 0 : i32
        %dma_wait3A_62 = arith.constant 0 : i32
        %dma_wait3A_63 = tpu.memref_slice %arg6[%dma_wait3A, %dma_wait3A_62] : memref<160x125xi32, #tpu.memory_space<vmem>> -> memref<1x125xi32, #tpu.memory_space<vmem>>
        %dma_wait3A_64 = tpu.memref_squeeze %dma_wait3A_63 : memref<1x125xi32, #tpu.memory_space<vmem>> -> memref<125xi32, #tpu.memory_space<vmem>>
        %dma_wait3A_65 = arith.constant 0 : i32
        %dma_wait3A_66 = arith.constant 0 : i32
        %dma_wait3A_67 = tpu.memref_slice %arg3[%dma_wait3A_65, %dma_wait3A_66] : memref<10000x64xf32, #tpu.memory_space<hbm>> -> memref<10000x64xf32, #tpu.memory_space<hbm>>
        tpu.wait_indirect_dma semaphore(%arg12 : memref<!tpu.dma_semaphore, #tpu.memory_space<semaphore_mem>>) src(%dma_wait3A_67 : memref<10000x64xf32, #tpu.memory_space<hbm>>) dst(%arg8 : memref<125x64xf32, #tpu.memory_space<vmem>>)
        "tpu.region"() ({
          %run_scoped3A_84 = tpu.sem_alloc : memref<!tpu.dma_semaphore, #tpu.memory_space<semaphore_mem>>
          %dma_start3A_85 = arith.constant 0 : i32
          %dma_start3A_86 = tpu.memref_slice %arg7[%mul3A_53, %dma_start3A_85] : memref<160x125xi32, #tpu.memory_space<vmem>> -> memref<1x125xi32, #tpu.memory_space<vmem>>
          %dma_start3A_87 = tpu.memref_squeeze %dma_start3A_86 : memref<1x125xi32, #tpu.memory_space<vmem>> -> memref<125xi32, #tpu.memory_space<vmem>>
          %dma_start3A_88 = arith.constant 0 : i32
          %dma_start3A_89 = arith.constant 0 : i32
          %dma_start3A_90 = tpu.memref_slice %arg11[%dma_start3A_88, %dma_start3A_89] : memref<10240x64xf32, #tpu.memory_space<vmem_shared>> -> memref<10240x64xf32, #tpu.memory_space<vmem_shared>>
          tpu.enqueue_indirect_dma source(%arg8 : memref<125x64xf32, #tpu.memory_space<vmem>>) target(%dma_start3A_90 : memref<10240x64xf32, #tpu.memory_space<vmem_shared>>) offsets(%dma_start3A_87 : memref<125xi32, #tpu.memory_space<vmem>>) semaphore(%run_scoped3A_84 : memref<!tpu.dma_semaphore, #tpu.memory_space<semaphore_mem>>) {add = true}
          %dma_wait3A_91 = arith.constant 0 : i32
          %dma_wait3A_92 = tpu.memref_slice %arg7[%mul3A_53, %dma_wait3A_91] : memref<160x125xi32, #tpu.memory_space<vmem>> -> memref<1x125xi32, #tpu.memory_space<vmem>>
          %dma_wait3A_93 = tpu.memref_squeeze %dma_wait3A_92 : memref<1x125xi32, #tpu.memory_space<vmem>> -> memref<125xi32, #tpu.memory_space<vmem>>
          %dma_wait3A_94 = arith.constant 0 : i32
          %dma_wait3A_95 = arith.constant 0 : i32
          %dma_wait3A_96 = tpu.memref_slice %arg11[%dma_wait3A_94, %dma_wait3A_95] : memref<10240x64xf32, #tpu.memory_space<vmem_shared>> -> memref<10240x64xf32, #tpu.memory_space<vmem_shared>>
          tpu.wait_indirect_dma semaphore(%run_scoped3A_84 : memref<!tpu.dma_semaphore, #tpu.memory_space<semaphore_mem>>) src(%arg8 : memref<125x64xf32, #tpu.memory_space<vmem>>) dst(%dma_wait3A_96 : memref<10240x64xf32, #tpu.memory_space<vmem_shared>>)
          tpu.yield
        }) : () -> ()
        %add3A_68 = arith.constant 2 : i32
        %add3A_69 = arith.addi %mul3A_53, %add3A_68 : i32
        %lt3A = arith.constant 160 : i32
        %lt3A_70 = arith.cmpi slt, %add3A_69, %lt3A : i32
        %convert_element_type3A_71 = arith.extui %lt3A_70 : i1 to i32
        %cond3A_72 = arith.constant 0 : i32
        %cond3A_73 = arith.cmpi ne, %convert_element_type3A_71, %cond3A_72 : i32
        scf.if %cond3A_73 {
          %add3A_84 = arith.constant 2 : i32
          %add3A_85 = arith.addi %mul3A_53, %add3A_84 : i32
          %dma_start3A_86 = arith.constant 0 : i32
          %dma_start3A_87 = tpu.memref_slice %arg6[%add3A_85, %dma_start3A_86] : memref<160x125xi32, #tpu.memory_space<vmem>> -> memref<1x125xi32, #tpu.memory_space<vmem>>
          %dma_start3A_88 = tpu.memref_squeeze %dma_start3A_87 : memref<1x125xi32, #tpu.memory_space<vmem>> -> memref<125xi32, #tpu.memory_space<vmem>>
          %dma_start3A_89 = arith.constant 0 : i32
          %dma_start3A_90 = arith.constant 0 : i32
          %dma_start3A_91 = tpu.memref_slice %arg3[%dma_start3A_89, %dma_start3A_90] : memref<10000x64xf32, #tpu.memory_space<hbm>> -> memref<10000x64xf32, #tpu.memory_space<hbm>>
          tpu.enqueue_indirect_dma source(%dma_start3A_91 : memref<10000x64xf32, #tpu.memory_space<hbm>>) target(%arg8 : memref<125x64xf32, #tpu.memory_space<vmem>>) offsets(%dma_start3A_88 : memref<125xi32, #tpu.memory_space<vmem>>) semaphore(%arg12 : memref<!tpu.dma_semaphore, #tpu.memory_space<semaphore_mem>>)
        } else {
        }
        %dma_wait3A_74 = arith.constant 0 : i32
        %dma_wait3A_75 = arith.constant 0 : i32
        %dma_wait3A_76 = tpu.memref_slice %arg6[%dma_wait3A_74, %dma_wait3A_75] : memref<160x125xi32, #tpu.memory_space<vmem>> -> memref<1x125xi32, #tpu.memory_space<vmem>>
        %dma_wait3A_77 = tpu.memref_squeeze %dma_wait3A_76 : memref<1x125xi32, #tpu.memory_space<vmem>> -> memref<125xi32, #tpu.memory_space<vmem>>
        %dma_wait3A_78 = arith.constant 0 : i32
        %dma_wait3A_79 = arith.constant 0 : i32
        %dma_wait3A_80 = tpu.memref_slice %arg3[%dma_wait3A_78, %dma_wait3A_79] : memref<10000x64xf32, #tpu.memory_space<hbm>> -> memref<10000x64xf32, #tpu.memory_space<hbm>>
        tpu.wait_indirect_dma semaphore(%arg13 : memref<!tpu.dma_semaphore, #tpu.memory_space<semaphore_mem>>) src(%dma_wait3A_80 : memref<10000x64xf32, #tpu.memory_space<hbm>>) dst(%arg9 : memref<125x64xf32, #tpu.memory_space<vmem>>)
        %add3A_81 = arith.constant 1 : i32
        %add3A_82 = arith.addi %mul3A_53, %add3A_81 : i32
        "tpu.region"() ({
          %run_scoped3A_84 = tpu.sem_alloc : memref<!tpu.dma_semaphore, #tpu.memory_space<semaphore_mem>>
          %dma_start3A_85 = arith.constant 0 : i32
          %dma_start3A_86 = tpu.memref_slice %arg7[%add3A_82, %dma_start3A_85] : memref<160x125xi32, #tpu.memory_space<vmem>> -> memref<1x125xi32, #tpu.memory_space<vmem>>
          %dma_start3A_87 = tpu.memref_squeeze %dma_start3A_86 : memref<1x125xi32, #tpu.memory_space<vmem>> -> memref<125xi32, #tpu.memory_space<vmem>>
          %dma_start3A_88 = arith.constant 0 : i32
          %dma_start3A_89 = arith.constant 0 : i32
          %dma_start3A_90 = tpu.memref_slice %arg11[%dma_start3A_88, %dma_start3A_89] : memref<10240x64xf32, #tpu.memory_space<vmem_shared>> -> memref<10240x64xf32, #tpu.memory_space<vmem_shared>>
          tpu.enqueue_indirect_dma source(%arg9 : memref<125x64xf32, #tpu.memory_space<vmem>>) target(%dma_start3A_90 : memref<10240x64xf32, #tpu.memory_space<vmem_shared>>) offsets(%dma_start3A_87 : memref<125xi32, #tpu.memory_space<vmem>>) semaphore(%run_scoped3A_84 : memref<!tpu.dma_semaphore, #tpu.memory_space<semaphore_mem>>) {add = true}
          %dma_wait3A_91 = arith.constant 0 : i32
          %dma_wait3A_92 = tpu.memref_slice %arg7[%add3A_82, %dma_wait3A_91] : memref<160x125xi32, #tpu.memory_space<vmem>> -> memref<1x125xi32, #tpu.memory_space<vmem>>
          %dma_wait3A_93 = tpu.memref_squeeze %dma_wait3A_92 : memref<1x125xi32, #tpu.memory_space<vmem>> -> memref<125xi32, #tpu.memory_space<vmem>>
          %dma_wait3A_94 = arith.constant 0 : i32
          %dma_wait3A_95 = arith.constant 0 : i32
          %dma_wait3A_96 = tpu.memref_slice %arg11[%dma_wait3A_94, %dma_wait3A_95] : memref<10240x64xf32, #tpu.memory_space<vmem_shared>> -> memref<10240x64xf32, #tpu.memory_space<vmem_shared>>
          tpu.wait_indirect_dma semaphore(%run_scoped3A_84 : memref<!tpu.dma_semaphore, #tpu.memory_space<semaphore_mem>>) src(%arg9 : memref<125x64xf32, #tpu.memory_space<vmem>>) dst(%dma_wait3A_96 : memref<10240x64xf32, #tpu.memory_space<vmem_shared>>)
          tpu.yield
        }) : () -> ()
        %scan3A_83 = arith.constant 0 : i32
        scf.yield %scan3A_83 : i32
      }
      %scan3A_49 = arith.constant 80 : i32
    } else {
    }
    %eq3A_27 = arith.constant 1 : i32
    %eq3A_28 = arith.cmpi eq, %arg0, %eq3A_27 : i32
    %convert_element_type3A_29 = arith.extui %eq3A_28 : i1 to i32
    %cond3A_30 = arith.constant 0 : i32
    %cond3A_31 = arith.cmpi ne, %convert_element_type3A_29, %cond3A_30 : i32
    scf.if %cond3A_31 {
      %dma_start3A = arith.constant 0 : i32
      %dma_start3A_37 = arith.constant 0 : i32
      %dma_start3A_38 = tpu.memref_slice %arg6[%dma_start3A, %dma_start3A_37] : memref<160x125xi32, #tpu.memory_space<vmem>> -> memref<1x125xi32, #tpu.memory_space<vmem>>
      %dma_start3A_39 = tpu.memref_squeeze %dma_start3A_38 : memref<1x125xi32, #tpu.memory_space<vmem>> -> memref<125xi32, #tpu.memory_space<vmem>>
      %dma_start3A_40 = arith.constant 0 : i32
      %dma_start3A_41 = arith.constant 0 : i32
      %dma_start3A_42 = tpu.memref_slice %arg4[%dma_start3A_40, %dma_start3A_41] : memref<10000x64xf32, #tpu.memory_space<hbm>> -> memref<10000x64xf32, #tpu.memory_space<hbm>>
      tpu.enqueue_indirect_dma source(%dma_start3A_42 : memref<10000x64xf32, #tpu.memory_space<hbm>>) target(%arg8 : memref<125x64xf32, #tpu.memory_space<vmem>>) offsets(%dma_start3A_39 : memref<125xi32, #tpu.memory_space<vmem>>) semaphore(%arg12 : memref<!tpu.dma_semaphore, #tpu.memory_space<semaphore_mem>>)
      %scan3A_43 = arith.constant 0 : i32
      %scan3A_44 = arith.constant 0 : i32
      %scan3A_45 = arith.constant 80 : i32
      %scan3A_46 = arith.addi %scan3A_44, %scan3A_45 : i32
      %scan3A_47 = arith.constant 1 : i32
      %scan3A_48 = scf.for %scan3A_50 = %scan3A_44 to %scan3A_46 step %scan3A_47 iter_args(%scan3A_51 = %scan3A_43) -> (i32)  : i32 {
        %mul3A_52 = arith.constant 2 : i32
        %mul3A_53 = arith.muli %mul3A_52, %scan3A_50 : i32
        %add3A_54 = arith.constant 1 : i32
        %add3A_55 = arith.addi %mul3A_53, %add3A_54 : i32
        %dma_start3A_56 = arith.constant 0 : i32
        %dma_start3A_57 = tpu.memref_slice %arg6[%add3A_55, %dma_start3A_56] : memref<160x125xi32, #tpu.memory_space<vmem>> -> memref<1x125xi32, #tpu.memory_space<vmem>>
        %dma_start3A_58 = tpu.memref_squeeze %dma_start3A_57 : memref<1x125xi32, #tpu.memory_space<vmem>> -> memref<125xi32, #tpu.memory_space<vmem>>
        %dma_start3A_59 = arith.constant 0 : i32
        %dma_start3A_60 = arith.constant 0 : i32
        %dma_start3A_61 = tpu.memref_slice %arg4[%dma_start3A_59, %dma_start3A_60] : memref<10000x64xf32, #tpu.memory_space<hbm>> -> memref<10000x64xf32, #tpu.memory_space<hbm>>
        tpu.enqueue_indirect_dma source(%dma_start3A_61 : memref<10000x64xf32, #tpu.memory_space<hbm>>) target(%arg9 : memref<125x64xf32, #tpu.memory_space<vmem>>) offsets(%dma_start3A_58 : memref<125xi32, #tpu.memory_space<vmem>>) semaphore(%arg13 : memref<!tpu.dma_semaphore, #tpu.memory_space<semaphore_mem>>)
        %dma_wait3A = arith.constant 0 : i32
        %dma_wait3A_62 = arith.constant 0 : i32
        %dma_wait3A_63 = tpu.memref_slice %arg6[%dma_wait3A, %dma_wait3A_62] : memref<160x125xi32, #tpu.memory_space<vmem>> -> memref<1x125xi32, #tpu.memory_space<vmem>>
        %dma_wait3A_64 = tpu.memref_squeeze %dma_wait3A_63 : memref<1x125xi32, #tpu.memory_space<vmem>> -> memref<125xi32, #tpu.memory_space<vmem>>
        %dma_wait3A_65 = arith.constant 0 : i32
        %dma_wait3A_66 = arith.constant 0 : i32
        %dma_wait3A_67 = tpu.memref_slice %arg4[%dma_wait3A_65, %dma_wait3A_66] : memref<10000x64xf32, #tpu.memory_space<hbm>> -> memref<10000x64xf32, #tpu.memory_space<hbm>>
        tpu.wait_indirect_dma semaphore(%arg12 : memref<!tpu.dma_semaphore, #tpu.memory_space<semaphore_mem>>) src(%dma_wait3A_67 : memref<10000x64xf32, #tpu.memory_space<hbm>>) dst(%arg8 : memref<125x64xf32, #tpu.memory_space<vmem>>)
        "tpu.region"() ({
          %run_scoped3A_84 = tpu.sem_alloc : memref<!tpu.dma_semaphore, #tpu.memory_space<semaphore_mem>>
          %dma_start3A_85 = arith.constant 0 : i32
          %dma_start3A_86 = tpu.memref_slice %arg7[%mul3A_53, %dma_start3A_85] : memref<160x125xi32, #tpu.memory_space<vmem>> -> memref<1x125xi32, #tpu.memory_space<vmem>>
          %dma_start3A_87 = tpu.memref_squeeze %dma_start3A_86 : memref<1x125xi32, #tpu.memory_space<vmem>> -> memref<125xi32, #tpu.memory_space<vmem>>
          %dma_start3A_88 = arith.constant 0 : i32
          %dma_start3A_89 = arith.constant 0 : i32
          %dma_start3A_90 = tpu.memref_slice %arg11[%dma_start3A_88, %dma_start3A_89] : memref<10240x64xf32, #tpu.memory_space<vmem_shared>> -> memref<10240x64xf32, #tpu.memory_space<vmem_shared>>
          tpu.enqueue_indirect_dma source(%arg8 : memref<125x64xf32, #tpu.memory_space<vmem>>) target(%dma_start3A_90 : memref<10240x64xf32, #tpu.memory_space<vmem_shared>>) offsets(%dma_start3A_87 : memref<125xi32, #tpu.memory_space<vmem>>) semaphore(%run_scoped3A_84 : memref<!tpu.dma_semaphore, #tpu.memory_space<semaphore_mem>>) {add = true}
          %dma_wait3A_91 = arith.constant 0 : i32
          %dma_wait3A_92 = tpu.memref_slice %arg7[%mul3A_53, %dma_wait3A_91] : memref<160x125xi32, #tpu.memory_space<vmem>> -> memref<1x125xi32, #tpu.memory_space<vmem>>
          %dma_wait3A_93 = tpu.memref_squeeze %dma_wait3A_92 : memref<1x125xi32, #tpu.memory_space<vmem>> -> memref<125xi32, #tpu.memory_space<vmem>>
          %dma_wait3A_94 = arith.constant 0 : i32
          %dma_wait3A_95 = arith.constant 0 : i32
          %dma_wait3A_96 = tpu.memref_slice %arg11[%dma_wait3A_94, %dma_wait3A_95] : memref<10240x64xf32, #tpu.memory_space<vmem_shared>> -> memref<10240x64xf32, #tpu.memory_space<vmem_shared>>
          tpu.wait_indirect_dma semaphore(%run_scoped3A_84 : memref<!tpu.dma_semaphore, #tpu.memory_space<semaphore_mem>>) src(%arg8 : memref<125x64xf32, #tpu.memory_space<vmem>>) dst(%dma_wait3A_96 : memref<10240x64xf32, #tpu.memory_space<vmem_shared>>)
          tpu.yield
        }) : () -> ()
        %add3A_68 = arith.constant 2 : i32
        %add3A_69 = arith.addi %mul3A_53, %add3A_68 : i32
        %lt3A = arith.constant 160 : i32
        %lt3A_70 = arith.cmpi slt, %add3A_69, %lt3A : i32
        %convert_element_type3A_71 = arith.extui %lt3A_70 : i1 to i32
        %cond3A_72 = arith.constant 0 : i32
        %cond3A_73 = arith.cmpi ne, %convert_element_type3A_71, %cond3A_72 : i32
        scf.if %cond3A_73 {
          %add3A_84 = arith.constant 2 : i32
          %add3A_85 = arith.addi %mul3A_53, %add3A_84 : i32
          %dma_start3A_86 = arith.constant 0 : i32
          %dma_start3A_87 = tpu.memref_slice %arg6[%add3A_85, %dma_start3A_86] : memref<160x125xi32, #tpu.memory_space<vmem>> -> memref<1x125xi32, #tpu.memory_space<vmem>>
          %dma_start3A_88 = tpu.memref_squeeze %dma_start3A_87 : memref<1x125xi32, #tpu.memory_space<vmem>> -> memref<125xi32, #tpu.memory_space<vmem>>
          %dma_start3A_89 = arith.constant 0 : i32
          %dma_start3A_90 = arith.constant 0 : i32
          %dma_start3A_91 = tpu.memref_slice %arg4[%dma_start3A_89, %dma_start3A_90] : memref<10000x64xf32, #tpu.memory_space<hbm>> -> memref<10000x64xf32, #tpu.memory_space<hbm>>
          tpu.enqueue_indirect_dma source(%dma_start3A_91 : memref<10000x64xf32, #tpu.memory_space<hbm>>) target(%arg8 : memref<125x64xf32, #tpu.memory_space<vmem>>) offsets(%dma_start3A_88 : memref<125xi32, #tpu.memory_space<vmem>>) semaphore(%arg12 : memref<!tpu.dma_semaphore, #tpu.memory_space<semaphore_mem>>)
        } else {
        }
        %dma_wait3A_74 = arith.constant 0 : i32
        %dma_wait3A_75 = arith.constant 0 : i32
        %dma_wait3A_76 = tpu.memref_slice %arg6[%dma_wait3A_74, %dma_wait3A_75] : memref<160x125xi32, #tpu.memory_space<vmem>> -> memref<1x125xi32, #tpu.memory_space<vmem>>
        %dma_wait3A_77 = tpu.memref_squeeze %dma_wait3A_76 : memref<1x125xi32, #tpu.memory_space<vmem>> -> memref<125xi32, #tpu.memory_space<vmem>>
        %dma_wait3A_78 = arith.constant 0 : i32
        %dma_wait3A_79 = arith.constant 0 : i32
        %dma_wait3A_80 = tpu.memref_slice %arg4[%dma_wait3A_78, %dma_wait3A_79] : memref<10000x64xf32, #tpu.memory_space<hbm>> -> memref<10000x64xf32, #tpu.memory_space<hbm>>
        tpu.wait_indirect_dma semaphore(%arg13 : memref<!tpu.dma_semaphore, #tpu.memory_space<semaphore_mem>>) src(%dma_wait3A_80 : memref<10000x64xf32, #tpu.memory_space<hbm>>) dst(%arg9 : memref<125x64xf32, #tpu.memory_space<vmem>>)
        %add3A_81 = arith.constant 1 : i32
        %add3A_82 = arith.addi %mul3A_53, %add3A_81 : i32
        "tpu.region"() ({
          %run_scoped3A_84 = tpu.sem_alloc : memref<!tpu.dma_semaphore, #tpu.memory_space<semaphore_mem>>
          %dma_start3A_85 = arith.constant 0 : i32
          %dma_start3A_86 = tpu.memref_slice %arg7[%add3A_82, %dma_start3A_85] : memref<160x125xi32, #tpu.memory_space<vmem>> -> memref<1x125xi32, #tpu.memory_space<vmem>>
          %dma_start3A_87 = tpu.memref_squeeze %dma_start3A_86 : memref<1x125xi32, #tpu.memory_space<vmem>> -> memref<125xi32, #tpu.memory_space<vmem>>
          %dma_start3A_88 = arith.constant 0 : i32
          %dma_start3A_89 = arith.constant 0 : i32
          %dma_start3A_90 = tpu.memref_slice %arg11[%dma_start3A_88, %dma_start3A_89] : memref<10240x64xf32, #tpu.memory_space<vmem_shared>> -> memref<10240x64xf32, #tpu.memory_space<vmem_shared>>
          tpu.enqueue_indirect_dma source(%arg9 : memref<125x64xf32, #tpu.memory_space<vmem>>) target(%dma_start3A_90 : memref<10240x64xf32, #tpu.memory_space<vmem_shared>>) offsets(%dma_start3A_87 : memref<125xi32, #tpu.memory_space<vmem>>) semaphore(%run_scoped3A_84 : memref<!tpu.dma_semaphore, #tpu.memory_space<semaphore_mem>>) {add = true}
          %dma_wait3A_91 = arith.constant 0 : i32
          %dma_wait3A_92 = tpu.memref_slice %arg7[%add3A_82, %dma_wait3A_91] : memref<160x125xi32, #tpu.memory_space<vmem>> -> memref<1x125xi32, #tpu.memory_space<vmem>>
          %dma_wait3A_93 = tpu.memref_squeeze %dma_wait3A_92 : memref<1x125xi32, #tpu.memory_space<vmem>> -> memref<125xi32, #tpu.memory_space<vmem>>
          %dma_wait3A_94 = arith.constant 0 : i32
          %dma_wait3A_95 = arith.constant 0 : i32
          %dma_wait3A_96 = tpu.memref_slice %arg11[%dma_wait3A_94, %dma_wait3A_95] : memref<10240x64xf32, #tpu.memory_space<vmem_shared>> -> memref<10240x64xf32, #tpu.memory_space<vmem_shared>>
          tpu.wait_indirect_dma semaphore(%run_scoped3A_84 : memref<!tpu.dma_semaphore, #tpu.memory_space<semaphore_mem>>) src(%arg9 : memref<125x64xf32, #tpu.memory_space<vmem>>) dst(%dma_wait3A_96 : memref<10240x64xf32, #tpu.memory_space<vmem_shared>>)
          tpu.yield
        }) : () -> ()
        %scan3A_83 = arith.constant 0 : i32
        scf.yield %scan3A_83 : i32
      }
      %scan3A_49 = arith.constant 80 : i32
    } else {
    }
    %barrier3A_32 = arith.constant 0 : index
    tpu.barrier barrier_id(%barrier3A_32)
    %mul3A_33 = arith.constant 640 : i32
    %mul3A_34 = arith.muli %arg1, %mul3A_33 : i32
    %mul3A_35 = arith.constant 640 : i32
    %mul3A_36 = arith.muli %arg1, %mul3A_35 : i32
    "tpu.region"() ({
      %run_scoped3A_37 = tpu.sem_alloc : memref<!tpu.dma_semaphore, #tpu.memory_space<semaphore_mem>>
      %dma_start3A = arith.constant 0 : i32
      %dma_start3A_38 = tpu.memref_slice %arg5[%arg0, %mul3A_36, %dma_start3A] : memref<2x10240x64xf32, #tpu.memory_space<hbm>> -> memref<1x640x64xf32, #tpu.memory_space<hbm>>
      %dma_start3A_39 = tpu.memref_squeeze %dma_start3A_38 : memref<1x640x64xf32, #tpu.memory_space<hbm>> -> memref<640x64xf32, #tpu.memory_space<hbm>>
      %dma_start3A_40 = arith.constant 0 : i32
      %dma_start3A_41 = tpu.memref_slice %arg11[%mul3A_34, %dma_start3A_40] : memref<10240x64xf32, #tpu.memory_space<vmem_shared>> -> memref<640x64xf32, #tpu.memory_space<vmem_shared>>
      tpu.enqueue_dma source(%dma_start3A_41 : memref<640x64xf32, #tpu.memory_space<vmem_shared>>) target(%dma_start3A_39 : memref<640x64xf32, #tpu.memory_space<hbm>>) target_semaphore(%run_scoped3A_37 : memref<!tpu.dma_semaphore, #tpu.memory_space<semaphore_mem>>)
      %dma_wait3A = arith.constant 0 : i32
      %dma_wait3A_42 = tpu.memref_slice %arg5[%arg0, %mul3A_36, %dma_wait3A] : memref<2x10240x64xf32, #tpu.memory_space<hbm>> -> memref<1x640x64xf32, #tpu.memory_space<hbm>>
      %dma_wait3A_43 = tpu.memref_squeeze %dma_wait3A_42 : memref<1x640x64xf32, #tpu.memory_space<hbm>> -> memref<640x64xf32, #tpu.memory_space<hbm>>
      %dma_wait3A_44 = arith.constant 0 : i32
      %dma_wait3A_45 = tpu.memref_slice %arg11[%mul3A_34, %dma_wait3A_44] : memref<10240x64xf32, #tpu.memory_space<vmem_shared>> -> memref<640x64xf32, #tpu.memory_space<vmem_shared>>
      tpu.wait_dma2 semaphore(%run_scoped3A_37 : memref<!tpu.dma_semaphore, #tpu.memory_space<semaphore_mem>>) src(%dma_wait3A_45 : memref<640x64xf32, #tpu.memory_space<vmem_shared>>) dst(%dma_wait3A_43 : memref<640x64xf32, #tpu.memory_space<hbm>>)
      tpu.yield
    }) : () -> ()
    return
  }
}

module attributes {stable_mosaic.version = 14 : i64} {
  func.func @_lin_body(%arg0: i32, %arg1: memref<1000x128xf32, #tpu.memory_space<vmem>>, %arg2: memref<128x128xf32, #tpu.memory_space<vmem>>, %arg3: memref<1000x1xf32, #tpu.memory_space<vmem>>, %arg4: memref<1000x1xf32, #tpu.memory_space<vmem>>, %arg5: memref<1000x64xf32, #tpu.memory_space<vmem>>, %arg6: memref<1000x64xf32, #tpu.memory_space<vmem>>, %arg7: memref<1000x1xf32, #tpu.memory_space<vmem>>) attributes {dimension_semantics = [#tpu.dimension_semantics<arbitrary>], iteration_bounds = array<i64: 10>, scalar_prefetch = 0 : i64, scratch_operands = 0 : i64, tpu.core_type = #tpu.core_type<tc>, window_params = [{transform_indices = @transform_0, window_bounds = array<i64: 1000, 128>}, {pipeline_mode = #tpu.pipeline_mode<synchronous>, transform_indices = @transform_1, window_bounds = array<i64: 128, 128>}, {transform_indices = @transform_2, window_bounds = array<i64: 1000, 1>}, {transform_indices = @transform_3, window_bounds = array<i64: 1000, 1>}, {transform_indices = @transform_4, window_bounds = array<i64: 1000, 64>}, {transform_indices = @transform_5, window_bounds = array<i64: 1000, 64>}, {transform_indices = @transform_6, window_bounds = array<i64: 1000, 1>}]} {
    %get3A = arith.constant 0 : index
    %get3A_0 = arith.constant 0 : index
    %get3A_1 = vector.load %arg1[%get3A, %get3A_0] : memref<1000x128xf32, #tpu.memory_space<vmem>>, vector<1000x128xf32>
    %get3A_2 = arith.constant 0 : index
    %get3A_3 = arith.constant 0 : index
    %get3A_4 = vector.load %arg2[%get3A_2, %get3A_3] : memref<128x128xf32, #tpu.memory_space<vmem>>, vector<128x128xf32>
    %dot_general3A = arith.constant dense<0.000000e+00> : vector<1000x128xf32>
    %dot_general3A_5 = tpu.matmul %get3A_1, %get3A_4, %dot_general3A {dimension_numbers = #tpu.dot_dimension_numbers<[1], [1], [0], [0], [0, 0, 1, 0], [], []>, transpose_lhs_hint = false} : vector<1000x128xf32>, vector<128x128xf32>, vector<1000x128xf32> -> vector<1000x128xf32>
    %get3A_6 = arith.constant 0 : index
    %get3A_7 = arith.constant 0 : index
    %get3A_8 = vector.load %arg3[%get3A_6, %get3A_7] : memref<1000x1xf32, #tpu.memory_space<vmem>>, vector<1000x1xf32>
    %get3A_9 = arith.constant 0 : index
    %get3A_10 = arith.constant 0 : index
    %get3A_11 = vector.load %arg4[%get3A_9, %get3A_10] : memref<1000x1xf32, #tpu.memory_space<vmem>>, vector<1000x1xf32>
    %add3A = arith.addf %get3A_8, %get3A_11 : vector<1000x1xf32>
    %add3A_12 = arith.constant 1.000000e+00 : f32
    %add3A_13 = vector.broadcast %add3A_12 : f32 to vector<1000x1xf32>
    %add3A_14 = arith.addf %add3A, %add3A_13 : vector<1000x1xf32>
    %rsqrt3A = math.rsqrt %add3A_14 : vector<1000x1xf32>
    %mul3A = vector.broadcast %rsqrt3A : vector<1000x1xf32> to vector<1000x128xf32>
    %mul3A_15 = arith.mulf %mul3A, %dot_general3A_5 : vector<1000x128xf32>
    %slice3A = vector.extract_strided_slice %mul3A_15 {offsets = [0, 0], sizes = [1000, 64], strides = [1, 1]} : vector<1000x128xf32> to vector<1000x64xf32>
    %swap3A = arith.constant 0 : index
    %swap3A_16 = arith.constant 0 : index
    %swap3A_17 = vector.load %arg5[%swap3A, %swap3A_16] : memref<1000x64xf32, #tpu.memory_space<vmem>>, vector<1000x64xf32>
    tpu.vector_store %arg5[%swap3A, %swap3A_16], %slice3A {strides = array<i32>} : memref<1000x64xf32, #tpu.memory_space<vmem>>, vector<1000x64xf32>,
    %slice3A_18 = vector.extract_strided_slice %mul3A_15 {offsets = [0, 64], sizes = [1000, 64], strides = [1, 1]} : vector<1000x128xf32> to vector<1000x64xf32>
    %swap3A_19 = arith.constant 0 : index
    %swap3A_20 = arith.constant 0 : index
    %swap3A_21 = vector.load %arg6[%swap3A_19, %swap3A_20] : memref<1000x64xf32, #tpu.memory_space<vmem>>, vector<1000x64xf32>
    tpu.vector_store %arg6[%swap3A_19, %swap3A_20], %slice3A_18 {strides = array<i32>} : memref<1000x64xf32, #tpu.memory_space<vmem>>, vector<1000x64xf32>,
    %swap3A_22 = arith.constant 0 : index
    %swap3A_23 = arith.constant 0 : index
    %swap3A_24 = vector.load %arg7[%swap3A_22, %swap3A_23] : memref<1000x1xf32, #tpu.memory_space<vmem>>, vector<1000x1xf32>
    tpu.vector_store %arg7[%swap3A_22, %swap3A_23], %rsqrt3A {strides = array<i32>} : memref<1000x1xf32, #tpu.memory_space<vmem>>, vector<1000x1xf32>,
    return
  }
  func.func @transform_0(%arg0: i32) -> (i32, i32) {
    %c0_i32 = arith.constant 0 : i32
    %c0_i32_0 = arith.constant 0 : i32
    return %arg0, %c0_i32 : i32, i32
  }
  func.func @transform_1(%arg0: i32) -> (i32, i32) {
    %c0_i32 = arith.constant 0 : i32
    %c0_i32_0 = arith.constant 0 : i32
    %c0_i32_1 = arith.constant 0 : i32
    return %c0_i32, %c0_i32_0 : i32, i32
  }
  func.func @transform_2(%arg0: i32) -> (i32, i32) {
    %c0_i32 = arith.constant 0 : i32
    %c0_i32_0 = arith.constant 0 : i32
    return %arg0, %c0_i32 : i32, i32
  }
  func.func @transform_3(%arg0: i32) -> (i32, i32) {
    %c0_i32 = arith.constant 0 : i32
    %c0_i32_0 = arith.constant 0 : i32
    return %arg0, %c0_i32 : i32, i32
  }
  func.func @transform_4(%arg0: i32) -> (i32, i32) {
    %c0_i32 = arith.constant 0 : i32
    %c0_i32_0 = arith.constant 0 : i32
    return %arg0, %c0_i32 : i32, i32
  }
  func.func @transform_5(%arg0: i32) -> (i32, i32) {
    %c0_i32 = arith.constant 0 : i32
    %c0_i32_0 = arith.constant 0 : i32
    return %arg0, %c0_i32 : i32, i32
  }
  func.func @transform_6(%arg0: i32) -> (i32, i32) {
    %c0_i32 = arith.constant 0 : i32
    %c0_i32_0 = arith.constant 0 : i32
    return %arg0, %c0_i32 : i32, i32
  }
}

module attributes {stable_mosaic.version = 14 : i64} {
  func.func @_dense_body(%arg0: i32, %arg1: memref<1x1000x64xf32, #tpu.memory_space<vmem>>, %arg2: memref<1x1000x64xf32, #tpu.memory_space<vmem>>, %arg3: memref<1000x64xf32, #tpu.memory_space<vmem>>, %arg4: memref<1000x64xf32, #tpu.memory_space<vmem>>, %arg5: memref<1000x1xf32, #tpu.memory_space<vmem>>, %arg6: memref<1x128xf32, #tpu.memory_space<vmem>>, %arg7: memref<128x128xf32, #tpu.memory_space<vmem>>, %arg8: memref<1x128xf32, #tpu.memory_space<vmem>>, %arg9: memref<128x128xf32, #tpu.memory_space<vmem>>, %arg10: memref<1x128xf32, #tpu.memory_space<vmem>>, %arg11: memref<128x128xf32, #tpu.memory_space<vmem>>, %arg12: memref<1x128xf32, #tpu.memory_space<vmem>>, %arg13: memref<128x128xf32, #tpu.memory_space<vmem>>, %arg14: memref<1x128xf32, #tpu.memory_space<vmem>>, %arg15: memref<256x128xf32, #tpu.memory_space<vmem>>, %arg16: memref<256x128xf32, #tpu.memory_space<vmem>>, %arg17: memref<1x256xf32, #tpu.memory_space<vmem>>, %arg18: memref<1000x256xf32, #tpu.memory_space<vmem>>) attributes {dimension_semantics = [#tpu.dimension_semantics<arbitrary>], iteration_bounds = array<i64: 10>, scalar_prefetch = 0 : i64, scratch_operands = 0 : i64, tpu.core_type = #tpu.core_type<tc>, window_params = [{transform_indices = @transform_0, window_bounds = array<i64: 1, 1000, 64>}, {transform_indices = @transform_1, window_bounds = array<i64: 1, 1000, 64>}, {transform_indices = @transform_2, window_bounds = array<i64: 1000, 64>}, {transform_indices = @transform_3, window_bounds = array<i64: 1000, 64>}, {transform_indices = @transform_4, window_bounds = array<i64: 1000, 1>}, {pipeline_mode = #tpu.pipeline_mode<synchronous>, transform_indices = @transform_5, window_bounds = array<i64: 1, 128>}, {pipeline_mode = #tpu.pipeline_mode<synchronous>, transform_indices = @transform_6, window_bounds = array<i64: 128, 128>}, {pipeline_mode = #tpu.pipeline_mode<synchronous>, transform_indices = @transform_7, window_bounds = array<i64: 1, 128>}, {pipeline_mode = #tpu.pipeline_mode<synchronous>, transform_indices = @transform_8, window_bounds = array<i64: 128, 128>}, {pipeline_mode = #tpu.pipeline_mode<synchronous>, transform_indices = @transform_9, window_bounds = array<i64: 1, 128>}, {pipeline_mode = #tpu.pipeline_mode<synchronous>, transform_indices = @transform_10, window_bounds = array<i64: 128, 128>}, {pipeline_mode = #tpu.pipeline_mode<synchronous>, transform_indices = @transform_11, window_bounds = array<i64: 1, 128>}, {pipeline_mode = #tpu.pipeline_mode<synchronous>, transform_indices = @transform_12, window_bounds = array<i64: 128, 128>}, {pipeline_mode = #tpu.pipeline_mode<synchronous>, transform_indices = @transform_13, window_bounds = array<i64: 1, 128>}, {pipeline_mode = #tpu.pipeline_mode<synchronous>, transform_indices = @transform_14, window_bounds = array<i64: 256, 128>}, {pipeline_mode = #tpu.pipeline_mode<synchronous>, transform_indices = @transform_15, window_bounds = array<i64: 256, 128>}, {pipeline_mode = #tpu.pipeline_mode<synchronous>, transform_indices = @transform_16, window_bounds = array<i64: 1, 256>}, {transform_indices = @transform_17, window_bounds = array<i64: 1000, 256>}]} {
    %get3A = arith.constant 0 : index
    %get3A_0 = arith.constant 0 : index
    %get3A_1 = vector.load %arg5[%get3A, %get3A_0] : memref<1000x1xf32, #tpu.memory_space<vmem>>, vector<1000x1xf32>
    %get3A_2 = arith.constant 0 : index
    %get3A_3 = arith.constant 0 : index
    %get3A_4 = arith.constant 0 : index
    %get3A_5 = vector.load %arg1[%get3A_2, %get3A_3, %get3A_4] : memref<1x1000x64xf32, #tpu.memory_space<vmem>>, vector<1x1000x64xf32>
    %get3A_6 = vector.shape_cast %get3A_5 : vector<1x1000x64xf32> to vector<1000x64xf32>
    %get3A_7 = arith.constant 0 : index
    %get3A_8 = arith.constant 0 : index
    %get3A_9 = vector.load %arg3[%get3A_7, %get3A_8] : memref<1000x64xf32, #tpu.memory_space<vmem>>, vector<1000x64xf32>
    %add3A = arith.addf %get3A_6, %get3A_9 : vector<1000x64xf32>
    %mul3A = vector.broadcast %get3A_1 : vector<1000x1xf32> to vector<1000x64xf32>
    %mul3A_10 = arith.mulf %mul3A, %add3A : vector<1000x64xf32>
    %get3A_11 = arith.constant 0 : index
    %get3A_12 = arith.constant 0 : index
    %get3A_13 = arith.constant 0 : index
    %get3A_14 = vector.load %arg2[%get3A_11, %get3A_12, %get3A_13] : memref<1x1000x64xf32, #tpu.memory_space<vmem>>, vector<1x1000x64xf32>
    %get3A_15 = vector.shape_cast %get3A_14 : vector<1x1000x64xf32> to vector<1000x64xf32>
    %get3A_16 = arith.constant 0 : index
    %get3A_17 = arith.constant 0 : index
    %get3A_18 = vector.load %arg4[%get3A_16, %get3A_17] : memref<1000x64xf32, #tpu.memory_space<vmem>>, vector<1000x64xf32>
    %add3A_19 = arith.addf %get3A_15, %get3A_18 : vector<1000x64xf32>
    %mul3A_20 = vector.broadcast %get3A_1 : vector<1000x1xf32> to vector<1000x64xf32>
    %mul3A_21 = arith.mulf %mul3A_20, %add3A_19 : vector<1000x64xf32>
    %concatenate3A = tpu.concatenate %mul3A_10, %mul3A_21 in 1 : vector<1000x64xf32>, vector<1000x64xf32> -> vector<1000x128xf32>
    %get3A_22 = arith.constant 0 : index
    %get3A_23 = arith.constant 0 : index
    %get3A_24 = vector.load %arg6[%get3A_22, %get3A_23] : memref<1x128xf32, #tpu.memory_space<vmem>>, vector<1x128xf32>
    %add3A_25 = vector.broadcast %get3A_24 : vector<1x128xf32> to vector<1000x128xf32>
    %add3A_26 = arith.addf %concatenate3A, %add3A_25 : vector<1000x128xf32>
    %max3A = arith.constant 0.000000e+00 : f32
    %max3A_27 = vector.broadcast %max3A : f32 to vector<1000x128xf32>
    %max3A_28 = arith.maximumf %add3A_26, %max3A_27 : vector<1000x128xf32>
    %get3A_29 = arith.constant 0 : index
    %get3A_30 = arith.constant 0 : index
    %get3A_31 = vector.load %arg7[%get3A_29, %get3A_30] : memref<128x128xf32, #tpu.memory_space<vmem>>, vector<128x128xf32>
    %dot_general3A = arith.constant dense<0.000000e+00> : vector<1000x128xf32>
    %dot_general3A_32 = tpu.matmul %max3A_28, %get3A_31, %dot_general3A {dimension_numbers = #tpu.dot_dimension_numbers<[1], [1], [0], [0], [0, 0, 1, 0], [], []>, transpose_lhs_hint = false} : vector<1000x128xf32>, vector<128x128xf32>, vector<1000x128xf32> -> vector<1000x128xf32>
    %get3A_33 = arith.constant 0 : index
    %get3A_34 = arith.constant 0 : index
    %get3A_35 = vector.load %arg8[%get3A_33, %get3A_34] : memref<1x128xf32, #tpu.memory_space<vmem>>, vector<1x128xf32>
    %add3A_36 = vector.broadcast %get3A_35 : vector<1x128xf32> to vector<1000x128xf32>
    %add3A_37 = arith.addf %dot_general3A_32, %add3A_36 : vector<1000x128xf32>
    %get3A_38 = arith.constant 0 : index
    %get3A_39 = arith.constant 0 : index
    %get3A_40 = vector.load %arg9[%get3A_38, %get3A_39] : memref<128x128xf32, #tpu.memory_space<vmem>>, vector<128x128xf32>
    %dot_general3A_41 = arith.constant dense<0.000000e+00> : vector<1000x128xf32>
    %dot_general3A_42 = tpu.matmul %add3A_37, %get3A_40, %dot_general3A_41 {dimension_numbers = #tpu.dot_dimension_numbers<[1], [1], [0], [0], [0, 0, 1, 0], [], []>, transpose_lhs_hint = false} : vector<1000x128xf32>, vector<128x128xf32>, vector<1000x128xf32> -> vector<1000x128xf32>
    %get3A_43 = arith.constant 0 : index
    %get3A_44 = arith.constant 0 : index
    %get3A_45 = vector.load %arg10[%get3A_43, %get3A_44] : memref<1x128xf32, #tpu.memory_space<vmem>>, vector<1x128xf32>
    %add3A_46 = vector.broadcast %get3A_45 : vector<1x128xf32> to vector<1000x128xf32>
    %add3A_47 = arith.addf %dot_general3A_42, %add3A_46 : vector<1000x128xf32>
    %get3A_48 = arith.constant 0 : index
    %get3A_49 = arith.constant 0 : index
    %get3A_50 = vector.load %arg11[%get3A_48, %get3A_49] : memref<128x128xf32, #tpu.memory_space<vmem>>, vector<128x128xf32>
    %dot_general3A_51 = arith.constant dense<0.000000e+00> : vector<1000x128xf32>
    %dot_general3A_52 = tpu.matmul %max3A_28, %get3A_50, %dot_general3A_51 {dimension_numbers = #tpu.dot_dimension_numbers<[1], [1], [0], [0], [0, 0, 1, 0], [], []>, transpose_lhs_hint = false} : vector<1000x128xf32>, vector<128x128xf32>, vector<1000x128xf32> -> vector<1000x128xf32>
    %get3A_53 = arith.constant 0 : index
    %get3A_54 = arith.constant 0 : index
    %get3A_55 = vector.load %arg12[%get3A_53, %get3A_54] : memref<1x128xf32, #tpu.memory_space<vmem>>, vector<1x128xf32>
    %add3A_56 = vector.broadcast %get3A_55 : vector<1x128xf32> to vector<1000x128xf32>
    %add3A_57 = arith.addf %dot_general3A_52, %add3A_56 : vector<1000x128xf32>
    %get3A_58 = arith.constant 0 : index
    %get3A_59 = arith.constant 0 : index
    %get3A_60 = vector.load %arg13[%get3A_58, %get3A_59] : memref<128x128xf32, #tpu.memory_space<vmem>>, vector<128x128xf32>
    %dot_general3A_61 = arith.constant dense<0.000000e+00> : vector<1000x128xf32>
    %dot_general3A_62 = tpu.matmul %add3A_57, %get3A_60, %dot_general3A_61 {dimension_numbers = #tpu.dot_dimension_numbers<[1], [1], [0], [0], [0, 0, 1, 0], [], []>, transpose_lhs_hint = false} : vector<1000x128xf32>, vector<128x128xf32>, vector<1000x128xf32> -> vector<1000x128xf32>
    %get3A_63 = arith.constant 0 : index
    %get3A_64 = arith.constant 0 : index
    %get3A_65 = vector.load %arg14[%get3A_63, %get3A_64] : memref<1x128xf32, #tpu.memory_space<vmem>>, vector<1x128xf32>
    %add3A_66 = vector.broadcast %get3A_65 : vector<1x128xf32> to vector<1000x128xf32>
    %add3A_67 = arith.addf %dot_general3A_62, %add3A_66 : vector<1000x128xf32>
    %get3A_68 = arith.constant 0 : index
    %get3A_69 = arith.constant 0 : index
    %get3A_70 = vector.load %arg15[%get3A_68, %get3A_69] : memref<256x128xf32, #tpu.memory_space<vmem>>, vector<256x128xf32>
    %dot_general3A_71 = arith.constant dense<0.000000e+00> : vector<1000x256xf32>
    %dot_general3A_72 = tpu.matmul %add3A_47, %get3A_70, %dot_general3A_71 {dimension_numbers = #tpu.dot_dimension_numbers<[1], [1], [0], [0], [0, 0, 1, 0], [], []>, transpose_lhs_hint = false} : vector<1000x128xf32>, vector<256x128xf32>, vector<1000x256xf32> -> vector<1000x256xf32>
    %get3A_73 = arith.constant 0 : index
    %get3A_74 = arith.constant 0 : index
    %get3A_75 = vector.load %arg16[%get3A_73, %get3A_74] : memref<256x128xf32, #tpu.memory_space<vmem>>, vector<256x128xf32>
    %dot_general3A_76 = arith.constant dense<0.000000e+00> : vector<1000x256xf32>
    %dot_general3A_77 = tpu.matmul %add3A_67, %get3A_75, %dot_general3A_76 {dimension_numbers = #tpu.dot_dimension_numbers<[1], [1], [0], [0], [0, 0, 1, 0], [], []>, transpose_lhs_hint = false} : vector<1000x128xf32>, vector<256x128xf32>, vector<1000x256xf32> -> vector<1000x256xf32>
    %add3A_78 = arith.addf %dot_general3A_72, %dot_general3A_77 : vector<1000x256xf32>
    %get3A_79 = arith.constant 0 : index
    %get3A_80 = arith.constant 0 : index
    %get3A_81 = vector.load %arg17[%get3A_79, %get3A_80] : memref<1x256xf32, #tpu.memory_space<vmem>>, vector<1x256xf32>
    %add3A_82 = vector.broadcast %get3A_81 : vector<1x256xf32> to vector<1000x256xf32>
    %add3A_83 = arith.addf %add3A_78, %add3A_82 : vector<1000x256xf32>
    %max3A_84 = arith.constant 0.000000e+00 : f32
    %max3A_85 = vector.broadcast %max3A_84 : f32 to vector<1000x256xf32>
    %max3A_86 = arith.maximumf %add3A_83, %max3A_85 : vector<1000x256xf32>
    %swap3A = arith.constant 0 : index
    %swap3A_87 = arith.constant 0 : index
    %swap3A_88 = vector.load %arg18[%swap3A, %swap3A_87] : memref<1000x256xf32, #tpu.memory_space<vmem>>, vector<1000x256xf32>
    tpu.vector_store %arg18[%swap3A, %swap3A_87], %max3A_86 {strides = array<i32>} : memref<1000x256xf32, #tpu.memory_space<vmem>>, vector<1000x256xf32>,
    return
  }
  func.func @transform_0(%arg0: i32) -> (i32, i32, i32) {
    %c0_i32 = arith.constant 0 : i32
    %c0_i32_0 = arith.constant 0 : i32
    %c0_i32_1 = arith.constant 0 : i32
    return %c0_i32, %arg0, %c0_i32_0 : i32, i32, i32
  }
  func.func @transform_1(%arg0: i32) -> (i32, i32, i32) {
    %c1_i32 = arith.constant 1 : i32
    %c0_i32 = arith.constant 0 : i32
    %c0_i32_0 = arith.constant 0 : i32
    return %c1_i32, %arg0, %c0_i32 : i32, i32, i32
  }
  func.func @transform_2(%arg0: i32) -> (i32, i32) {
    %c0_i32 = arith.constant 0 : i32
    %c0_i32_0 = arith.constant 0 : i32
    return %arg0, %c0_i32 : i32, i32
  }
  func.func @transform_3(%arg0: i32) -> (i32, i32) {
    %c0_i32 = arith.constant 0 : i32
    %c0_i32_0 = arith.constant 0 : i32
    return %arg0, %c0_i32 : i32, i32
  }
  func.func @transform_4(%arg0: i32) -> (i32, i32) {
    %c0_i32 = arith.constant 0 : i32
    %c0_i32_0 = arith.constant 0 : i32
    return %arg0, %c0_i32 : i32, i32
  }
  func.func @transform_5(%arg0: i32) -> (i32, i32) {
    %c0_i32 = arith.constant 0 : i32
    %c0_i32_0 = arith.constant 0 : i32
    %c0_i32_1 = arith.constant 0 : i32
    return %c0_i32, %c0_i32_0 : i32, i32
  }
  func.func @transform_6(%arg0: i32) -> (i32, i32) {
    %c0_i32 = arith.constant 0 : i32
    %c0_i32_0 = arith.constant 0 : i32
    %c0_i32_1 = arith.constant 0 : i32
    return %c0_i32, %c0_i32_0 : i32, i32
  }
  func.func @transform_7(%arg0: i32) -> (i32, i32) {
    %c0_i32 = arith.constant 0 : i32
    %c0_i32_0 = arith.constant 0 : i32
    %c0_i32_1 = arith.constant 0 : i32
    return %c0_i32, %c0_i32_0 : i32, i32
  }
  func.func @transform_8(%arg0: i32) -> (i32, i32) {
    %c0_i32 = arith.constant 0 : i32
    %c0_i32_0 = arith.constant 0 : i32
    %c0_i32_1 = arith.constant 0 : i32
    return %c0_i32, %c0_i32_0 : i32, i32
  }
  func.func @transform_9(%arg0: i32) -> (i32, i32) {
    %c0_i32 = arith.constant 0 : i32
    %c0_i32_0 = arith.constant 0 : i32
    %c0_i32_1 = arith.constant 0 : i32
    return %c0_i32, %c0_i32_0 : i32, i32
  }
  func.func @transform_10(%arg0: i32) -> (i32, i32) {
    %c0_i32 = arith.constant 0 : i32
    %c0_i32_0 = arith.constant 0 : i32
    %c0_i32_1 = arith.constant 0 : i32
    return %c0_i32, %c0_i32_0 : i32, i32
  }
  func.func @transform_11(%arg0: i32) -> (i32, i32) {
    %c0_i32 = arith.constant 0 : i32
    %c0_i32_0 = arith.constant 0 : i32
    %c0_i32_1 = arith.constant 0 : i32
    return %c0_i32, %c0_i32_0 : i32, i32
  }
  func.func @transform_12(%arg0: i32) -> (i32, i32) {
    %c0_i32 = arith.constant 0 : i32
    %c0_i32_0 = arith.constant 0 : i32
    %c0_i32_1 = arith.constant 0 : i32
    return %c0_i32, %c0_i32_0 : i32, i32
  }
  func.func @transform_13(%arg0: i32) -> (i32, i32) {
    %c0_i32 = arith.constant 0 : i32
    %c0_i32_0 = arith.constant 0 : i32
    %c0_i32_1 = arith.constant 0 : i32
    return %c0_i32, %c0_i32_0 : i32, i32
  }
  func.func @transform_14(%arg0: i32) -> (i32, i32) {
    %c0_i32 = arith.constant 0 : i32
    %c0_i32_0 = arith.constant 0 : i32
    %c0_i32_1 = arith.constant 0 : i32
    return %c0_i32, %c0_i32_0 : i32, i32
  }
  func.func @transform_15(%arg0: i32) -> (i32, i32) {
    %c0_i32 = arith.constant 0 : i32
    %c0_i32_0 = arith.constant 0 : i32
    %c0_i32_1 = arith.constant 0 : i32
    return %c0_i32, %c0_i32_0 : i32, i32
  }
  func.func @transform_16(%arg0: i32) -> (i32, i32) {
    %c0_i32 = arith.constant 0 : i32
    %c0_i32_0 = arith.constant 0 : i32
    %c0_i32_1 = arith.constant 0 : i32
    return %c0_i32, %c0_i32_0 : i32, i32
  }
  func.func @transform_17(%arg0: i32) -> (i32, i32) {
    %c0_i32 = arith.constant 0 : i32
    %c0_i32_0 = arith.constant 0 : i32
    return %arg0, %c0_i32 : i32, i32
  }
}

</mosaic_0001>

<sc_bundles>
// kernel: kernel.6.cloned.1.call-start
scs
__scs_entry_jumppad:
0x0: {  	(pc) =	sbr.rel $0x88, $3  }
0x1: {  	(tag) =	ssettag $0x0;
	lr =	simm.s32 $0x1  }
0x2: {  	[smem:$0x3F93] =	sst lr;
	_ =	strace $0xD0000000  }
0x3: {  	_ = 	snop  }
0x4: {  	_ = 	snop  }
0x5: {  	_ = 	snop  }
0x6: {  	_ = 	snop  }
0x7: {  	_ = 	snop  }
__scs_overlays_trampoline_lowered:
0x8: {  	[smem:$0x3FA2] =	sst s0  }
0x9: {  	[smem:$0x3FA3] =	sst s1  }
0xa: {  	[smem:$0x3FA4] =	sst s2  }
0xb: {  	[smem:$0x3FA5] =	sst s3  }
0xc: {  	[smem:$0x3FA6] =	sst s4  }
0xd: {  	[smem:$0x3FA7] =	sst s5  }
0xe: {  	[smem:$0x3FA8] =	sst s6  }
0xf: {  	[smem:$0x3FA9] =	sst s7  }
0x10: {  	[smem:$0x3FAA] =	sst s8  }
0x11: {  	[smem:$0x3FAB] =	sst s9;
	s0 =	simm.s32 @!p0 $0x0  }
0x12: {  	s1 =	sld [smem:$0x3F91];
	s0 =	simm.s32 @p0 $0x1  }
0x13: {  	[smem:$0x3FAC] =	sst s0;
	s0 =	simm.s32 @!p1 $0x0  }
0x14: {  	s2 =	sld [smem:$0x3F90];
	s0 =	simm.s32 @p1 $0x1  }
0x15: {  	[smem:$0x3FAD] =	sst s0;
	s0 =	simm.s32 @!p2 $0x0  }
0x16: {  	s3 =	sld [smem:$0x3FDB];
	s0 =	simm.s32 @p2 $0x1  }
0x17: {  	s4 =	simm.s32 $0x1BF5;
	[smem:$0x3FAF] =	sst s0  }
0x18: {  	s0 =	sld [smem:$0x3F92];
	_ =	swait.ge [sflag:s4], $0x0  }
0x19: {  	s7 =	sld [smem:$0x3F93]  }
0x1a: {  	s8 =	sadd.s32 $0xFFFFE003, lr  }
0x1b: {  	s9 =	sadd.s32 $0xFFFFFEF7, lr;
	s5 =	simm.s32 $0xFFFFFFFF;
	p2 =	slt.u32 s8, $0xFFFFF086  }
0x1c: {  	p1 =	slt.u32 s9, $0xF7A;
	s5 =	simm.s32 @!p2 $0x0  }
0x1d: {  	s5 =	simm.s32 @p1 $0x1;
	p0 =	seq.s32 s7, s2  }
0x1e: {  	s7 =	smul.u32 @!p0 $0xF7A, s2;
	p2 =	seq.s32 @!p0 s5, $0x0  }
0x1f: {  	s9 =	smul.u32 $0xF7A, s1;
	s8 =	simm.s32 @!p0 $0x1BF5;
	p2 =	por !p2, p0  }
0x20: {  	[sflag:s8] =	ssyncset.s32 @!p0 $0xFFFFF086;
	s6 =	sadd.s32 @!p0 s3, s7;
	s7 =	simm.s32 @!p0 $0x108  }
0x21: {  	s3 =	sadd.s32 s3, s9;
	s6 =	sadd.s32 @!p0 $0x88, s6;
	s7 =	simm.s32 @p2 $0x1082  }
0x22: {  	[simem:s7], [sflag:s8] =	dma.local @!p0 [hbm:s6], $0xF7A  }
0x23: {  	s9 =	sor.u32 $0xD0000000, s2;
	s6 =	simm.s32 $0x108;
	_ =	swait.ge @!p0 [sflag:s8], $0x0  }
0x24: {  	s3 =	sadd.s32 $0x88, s3;
	s6 =	simm.s32 @!p1 $0x1082;
	[sflag:s4] =	ssyncset.s32 $0xFFFFF086  }
0x25: {  	[simem:s6], [sflag:s4] =	dma.local [hbm:s3], $0xF7A  }
0x26: {  	[smem:$0x3F93] =	sst s1;
	(tag) =	ssettag s2;
	_ =	strace s9  }
0x27: {  	s1 =	sld [smem:$0x3FA3]  }
0x28: {  	s2 =	sld [smem:$0x3FA4]  }
0x29: {  	s4 =	sld [smem:$0x3FA6]  }
0x2a: {  	p0 =	seq.s32 s5, $0x0;
	s5 =	sld [smem:$0x3FA7]  }
0x2b: {  	s6 =	sld [smem:$0x3FA8]  }
0x2c: {  	s7 =	sld [smem:$0x3FA9]  }
0x2d: {  	s3 =	simm.s32 $0x108;
	s8 =	sld [smem:$0x3FAA]  }
0x2e: {  	s3 =	simm.s32 @!p0 $0x1082;
	s9 =	sld [smem:$0x3FAB]  }
0x2f: {  	lr =	sadd.s32 s0, s3;
	s0 =	sld [smem:$0x3FA2]  }
0x30: {  	s3 =	sld [smem:$0x3FA5]  }
0x31: {  	[smem:$0x3FAE] =	sst s10  }
0x32: {  	s10 =	sld [smem:$0x3FAC];
	_ =	sdelay $0x3  }
0x33: {  	p0 =	seq.s32 s10, $0x1;
	s10 =	sld [smem:$0x3FAE];
	_ =	sdelay $0x3  }
0x34: {  	[smem:$0x3FAE] =	sst s10  }
0x35: {  	s10 =	sld [smem:$0x3FAD];
	_ =	sdelay $0x3  }
0x36: {  	p1 =	seq.s32 s10, $0x1;
	s10 =	sld [smem:$0x3FAE];
	_ =	sdelay $0x3  }
0x37: {  	[smem:$0x3FAE] =	sst s10  }
0x38: {  	s10 =	sld [smem:$0x3FAF]  }
0x39: {  	_ = 	snop;
	(pc) =	sbr.ind lr, $3  }
0x3a: {  	_ = 	snop  }
0x3b: {  	_ = 	snop  }
0x3c: {  	p2 =	seq.s32 s10, $0x1;
	s10 =	sld [smem:$0x3FAE]  }
0x3d: {  	_ =	shalt  }
0x3e: {  	_ =	shalt  }
0x3f: {  	_ =	shalt  }
0x40: {  	_ =	shalt  }
0x41: {  	_ =	shalt  }
0x42: {  	_ =	shalt  }
0x43: {  	_ =	shalt  }
0x44: {  	_ =	shalt  }
0x45: {  	_ =	shalt  }
0x46: {  	_ =	shalt  }
0x47: {  	_ =	shalt  }
0x48: {  	_ =	shalt  }
0x49: {  	_ =	shalt  }
0x4a: {  	_ =	shalt  }
0x4b: {  	_ =	shalt  }
0x4c: {  	_ =	shalt  }
0x4d: {  	_ =	shalt  }
0x4e: {  	_ =	shalt  }
0x4f: {  	_ =	shalt  }
0x50: {  	_ =	shalt  }
0x51: {  	_ =	shalt  }
0x52: {  	_ =	shalt  }
0x53: {  	_ =	shalt  }
0x54: {  	_ =	shalt  }
0x55: {  	_ =	shalt  }
0x56: {  	_ =	shalt  }
0x57: {  	_ =	shalt  }
0x58: {  	_ =	shalt  }
0x59: {  	_ =	shalt  }
0x5a: {  	_ =	shalt  }
0x5b: {  	_ =	shalt  }
0x5c: {  	_ =	shalt  }
0x5d: {  	_ =	shalt  }
0x5e: {  	_ =	shalt  }
0x5f: {  	_ =	shalt  }
0x60: {  	_ =	shalt  }
0x61: {  	_ =	shalt  }
0x62: {  	_ =	shalt  }
0x63: {  	_ =	shalt  }
0x64: {  	_ =	shalt  }
0x65: {  	_ =	shalt  }
0x66: {  	_ =	shalt  }
0x67: {  	_ =	shalt  }
0x68: {  	_ =	shalt  }
0x69: {  	_ =	shalt  }
0x6a: {  	_ =	shalt  }
0x6b: {  	_ =	shalt  }
0x6c: {  	_ =	shalt  }
0x6d: {  	_ =	shalt  }
0x6e: {  	_ =	shalt  }
0x6f: {  	_ =	shalt  }
0x70: {  	_ =	shalt  }
0x71: {  	_ =	shalt  }
0x72: {  	_ =	shalt  }
0x73: {  	_ =	shalt  }
0x74: {  	_ =	shalt  }
0x75: {  	_ =	shalt  }
0x76: {  	_ =	shalt  }
0x77: {  	_ =	shalt  }
0x78: {  	_ =	shalt  }
0x79: {  	_ =	shalt  }
0x7a: {  	_ =	shalt  }
0x7b: {  	_ =	shalt  }
0x7c: {  	_ =	shalt  }
0x7d: {  	_ =	shalt  }
0x7e: {  	_ =	shalt  }
0x7f: {  	_ =	shalt  }
0x80: {  	_ =	shalt  }
0x81: {  	_ =	shalt  }
0x82: {  	_ =	shalt  }
0x83: {  	_ =	shalt  }
0x84: {  	_ =	shalt  }
0x85: {  	_ =	shalt  }
0x86: {  	_ =	shalt  }
0x87: {  	_ =	shalt  }
.Lfunc_end0:
.L_simem_size_0:
called_computation_lowered:
.L_overlay_start_0:
0x88: {  	s2 =	sld [smem:$0x3FD9]  }
0x89: {  	s3 =	sld [smem:$0x3FFE];
	_ =	sdelay $0x1  }
0x8a: {  	s1 =	srdreg.scid  }
0x8b: {  	s0 =	sand.u32 $0x1, s1  }
0x8c: {  	s17 =	sshll.u32 s0, $0xA;
	s2 =	sadd.s32 s3, s2  }
0x8d: {  	s2 =	sadd.s32 s2, s17  }
0x8e: {  	[smem:$0x3FBA] =	sst s2  }
0x8f: {  	_ = 	snop  }
0x90: {  	s2 =	sld [smem:$0x3FD0];
	(tm) =	ssettm $0x1  }
0x91: {  	s18 =	sld [smem:$0x3FFB];
	_ =	sdelay $0x3  }
0x92: {  	_ =	strace s18  }
0x93: {  	s3 =	sld [smem:$0x3FFC];
	_ =	sdelay $0x3  }
0x94: {  	_ =	strace s3  }
0x95: {  	s3 =	sld [smem:$0x3FFD];
	_ =	sdelay $0x3  }
0x96: {  	_ =	strace s3  }
0x97: {  	_ =	strace $0x8FFFFFFF  }
0x98: {  	s19 =	sld [smem:$0x3FDB];
	_ =	sdelay $0x1  }
0x99: {  	s4 =	simm.s32 $_scs_section_size  }
0x9a: {  	s5 =	simm.s32 $_size__tile_overlayer_lowered;
	s6 =	simm.s32 $_tile_overlayer_lowered  }
0x9b: {  	s22 =	simm.s32 $0x1BFF;
	s21 =	sshll.u32 s6, $0x1;
	s3 =	sadd.s32 s4, s19  }
0x9c: {  	s7 =	simm.s32 $0x0;
	s20 =	sshll.u32 s5, $0x1;
	s5 =	sadd.s32 s21, s3  }
0x9d: {  	[timem:s7], [sflag:s22] =	dma.local [hbm:s5], s20  }
0x9e: {  	_ =	swait.ge [sflag:s22], s20  }
0x9f: {  	s4 =	ssub.s32 $0x0, s20;
	[sflag:s22] =	ssyncset.done $0x0  }
0xa0: {  	[sflag:s22] =	ssyncadd.s32 s4;
	_ =	sdelay $0x1  }
0xa1: {  	s23 =	simm.s32 $0x1B8B  }
0xa2: {  	_ =	swait.ge [sflag:s23], $0x1  }
0xa3: {  	[sflag:s23] =	ssyncset.done $0x0  }
0xa4: {  	s25 =	simm.s32 $0x1B8E;
	s24 =	sld [smem:$0x3FFE];
	[sflag:s23] =	ssyncadd.s32 $0xFFFFFFFF  }
0xa5: {  	s26 =	simm.s32 $execute0_lowered;
	[smem:$0x3FD2] =	sst s25  }
0xa6: {  	s5 =	sshll.u32 s26, $0x1;
	_ =	strace $0x80000046;
	[dreg:$0x1] =	wrdreg $0xFFFFFFFF  }
0xa7: {  	s28 =	simm.s32 $_size_execute0_lowered;
	s3 =	sadd.s32 s3, s5;
	[dreg:$0x0] =	wrdreg $0x0  }
0xa8: {  	s5 =	sshll.u32 s28, $0x1;
	[dreg:$0x2] =	wrdreg s3  }
0xa9: {  	[dreg:$0x3] =	wrdreg s5  }
0xaa: {  	[dreg:$0x4] =	wrdreg $0xC0  }
0xab: {  	_ =	task [dreg:s7], $0x5FFFF  }
0xac: {  	[dreg:$0x1] =	wrdreg $0xFFFFFFFF  }
0xad: {  	[dreg:$0x0] =	wrdreg $0x60  }
0xae: {  	[dreg:$0x2] =	wrdreg s24  }
0xaf: {  	[dreg:$0x3] =	wrdreg s2  }
0xb0: {  	[dreg:$0x4] =	wrdreg $0x2B000  }
0xb1: {  	[dreg:$0x5] =	wrdreg $0x9  }
0xb2: {  	_ =	task.clear_ibuf [dreg:s7], $0x6FFFF;
	_ =	strace $0x90000046  }
0xb3: {  	s29 =	simm.s32 $0x9;
	_ =	strace $0x80000048  }
0xb4: {  	_ =	swait.ge [sflag:s29], $0x1  }
0xb5: {  	[sflag:s29] =	ssyncadd.s32 $0xFFFFFFFF  }
0xb6: {  	_ =	strace $0x90000048  }
0xb7: {  	_ =	sfence  }
0xb8: {  	s30 =	sld [smem:$0x0];
	_ =	sdelay $0x2  }
0xb9: {  	s31 =	sshll.u32 s1, $0xD;
	s1 =	sshrl.u32 s1, $0x2  }
0xba: {  	s3 =	sand.u32 $0x4000, s31;
	s1 =	sadd.s32 s1, s30  }
0xbb: {  	s0 =	sor.u32 s3, s0;
	s1 =	sshll.u32 s1, $0x11  }
0xbc: {  	s0 =	sor.u32 s1, s0  }
0xbd: {  	s0 =	sadd.s32 $0x8F2B, s0  }
0xbe: {  	[sflag:s0] =	ssyncadd.remote.s32 $0x1  }
0xbf: {  	_ =	sfence.sel $0xFFFF  }
0xc0: {  	[dreg:$0x0] =	wrdreg $0xFFFFFFFF;
	(pc) =	sbr.abs _section_cstart, $3  }
0xc1: {  	[dreg:$0x1] =	wrdreg $0xFFFFFFFF  }
0xc2: {  	_ =	task.clear_ibuf [dreg:s7], $0x2FFFF;
	_ =	strace $0x9FFFFFFF  }
0xc3: {  	(tm) =	ssettm $0x7FFFFFFF  }
tec
execute0_lowered:
.L_overlay_start_1:
0x0: {  	(tag) =	ssettag $0x1  }
0x1: {  	s4 =	rddreg [dreg:$0x0];
	s1 =	srdreg.scid  }
0x2: {  	s0 =	stileid.u32;
	s6 =	rddreg [dreg:$0x1]  }
0x3: {  	s2 =	rddreg [dreg:$0x2];
	s3 =	simm.s32 $0x0;
	s11 =	simm.s32 $0x2800  }
0x4: {  	s5 =	sand.u32 $0x1, s1;
	s7 =	smul.u32 $0x5000, s0;
	s1 =	rddreg [dreg:$0x3]  }
0x5: {  	s14 =	simm.s32 $0x0;
	[smem:$0x7FF] =	sst s3;
	s9 =	smul.u32 $0x280, s0  }
0x6: {  	s12 =	sshll.u32 s0, $0x6;
	s8 =	smul.u32 $0x2800, s5;
	s5 =	ssub.s32 $0x2, s5  }
0x7: {  	_ =	strace $0x80000047;
	s12 =	sor.u32 $0x1C01, s12;
	s10 =	sshrl.u32 s5, $0x1  }
0x8: {  	s7 =	sadd.s32 s8, s7;
	s8 =	sadd.s32 s9, s8;
	s31 =	ssub.s32 s5, s10  }
0x9: {  	s5 =	sadd.s32 s9, s2;
	s9 =	simm.s32 $0x2880;
	s7 =	sadd.s32 $0x50000, s7  }
0xa: {  	s10 =	simm.s32 $0x7D;
	s8 =	sshrl.u32 s8, $0x3;
	s7 =	sshrl.u32 s7, $0x3  }
0xb: {  	s13 =	sshrl.u32 s5, $0x3;
	s6 =	sadd.s32 s6, s8;
	s4 =	sadd.s32 s7, s4  }
0xc: {  	v0 =	vimm.f32 $1.000000000e+00;
	v1 =	vimm.f32 $0.0e+00;
	s8 =	simm.s32 $0x1;
	s7 =	smax.u32 s31, $0x1;
	s4 =	sadd.s32 $0x2E00, s4  }
.LBB2_1:
0xd: {  	[tilespmem:s3], [sflag:$0x1] =	stream.linear.gather [hbm4b:s4+s3], $0x2800, $0x38;
	[tilespmem:$0x2D80] =	vst v63  }
0xe: {  	_ =	swait.ge [sflag:s8], $0x2800  }
0xf: {  	[sflag:s8] =	ssyncset.done $0x0  }
0x10: {  	[sflag:s8] =	ssyncadd.s32 $0xFFFFD800  }
0x11: {  	[tilespmem:$0x2800] =	vst v0  }
0x12: {  	[tilespmem:$0x2810] =	vst v0  }
0x13: {  	[tilespmem:$0x2820] =	vst v0  }
0x14: {  	[tilespmem:$0x2830] =	vst v0  }
0x15: {  	[tilespmem:$0x2840] =	vst v0  }
0x16: {  	[tilespmem:$0x2850] =	vst v0  }
0x17: {  	[tilespmem:$0x2860] =	vst v0  }
0x18: {  	[tilespmem:$0x2870] =	vst v0  }
0x19: {  	[tilespmem:$0x2880] =	vst v1  }
0x1a: {  	[tilespmem:$0x2890] =	vst v1  }
0x1b: {  	[tilespmem:$0x28A0] =	vst v1  }
0x1c: {  	[tilespmem:$0x28B0] =	vst v1  }
0x1d: {  	[tilespmem:$0x28C0] =	vst v1  }
0x1e: {  	[tilespmem:$0x28D0] =	vst v1  }
0x1f: {  	[tilespmem:$0x28E0] =	vst v1  }
0x20: {  	[tilespmem:$0x28F0] =	vst v1  }
0x21: {  	[tilespmem:$0x2900] =	vst v1  }
0x22: {  	[tilespmem:$0x2910] =	vst v1  }
0x23: {  	[tilespmem:$0x2920] =	vst v1  }
0x24: {  	[tilespmem:$0x2930] =	vst v1  }
0x25: {  	[tilespmem:$0x2940] =	vst v1  }
0x26: {  	[tilespmem:$0x2950] =	vst v1  }
0x27: {  	[tilespmem:$0x2960] =	vst v1  }
0x28: {  	[tilespmem:$0x2970] =	vst v1  }
0x29: {  	[tilespmem:$0x2980] =	vst v1  }
0x2a: {  	[tilespmem:$0x2990] =	vst v1  }
0x2b: {  	[tilespmem:$0x29A0] =	vst v1  }
0x2c: {  	[tilespmem:$0x29B0] =	vst v1  }
0x2d: {  	[tilespmem:$0x29C0] =	vst v1  }
0x2e: {  	[tilespmem:$0x29D0] =	vst v1  }
0x2f: {  	[tilespmem:$0x29E0] =	vst v1  }
0x30: {  	[tilespmem:$0x29F0] =	vst v1  }
0x31: {  	[tilespmem:$0x2A00] =	vst v1  }
0x32: {  	[tilespmem:$0x2A10] =	vst v1  }
0x33: {  	[tilespmem:$0x2A20] =	vst v1  }
0x34: {  	[tilespmem:$0x2A30] =	vst v1  }
0x35: {  	[tilespmem:$0x2A40] =	vst v1  }
0x36: {  	[tilespmem:$0x2A50] =	vst v1  }
0x37: {  	[tilespmem:$0x2A60] =	vst v1  }
0x38: {  	[tilespmem:$0x2A70] =	vst v1  }
0x39: {  	[tilespmem:$0x2A80] =	vst v1  }
0x3a: {  	[tilespmem:$0x2A90] =	vst v1  }
0x3b: {  	[tilespmem:$0x2AA0] =	vst v1  }
0x3c: {  	[tilespmem:$0x2AB0] =	vst v1  }
0x3d: {  	[tilespmem:$0x2AC0] =	vst v1  }
0x3e: {  	[tilespmem:$0x2AD0] =	vst v1  }
0x3f: {  	[tilespmem:$0x2AE0] =	vst v1  }
0x40: {  	[tilespmem:$0x2AF0] =	vst v1  }
0x41: {  	[spmem:s5] =	stream.linear.scatter [tilespmem:s9], [sflag:$0x1], $0x280, $0x38;
	[tilespmem:$0x2D80] =	vst v63  }
0x42: {  	_ =	swait.ge [sflag:s8], $0x280  }
0x43: {  	[sflag:s8] =	ssyncset.done $0x0  }
0x44: {  	[sflag:s8] =	ssyncadd.s32 $0xFFFFFD80  }
0x45: {  	s15 =	simm.s32 $0x0;
	[bflag:$0x0] =	sbarrier.arrive $0xFFFF  }
0x46: {  	[spmem:s2] =	stream.indirect.scatter.add.f32 [tilespmem:s11], [sflag:$0x1], $0x1, s15, s10, $0xb8;
	[tilespmem:$0x2D80] =	vst v63  }
0x47: {  	_ =	swait.ge [sflag:s8], $0x7D  }
0x48: {  	s15 =	simm.s32 $0x200;
	[sflag:s8] =	ssyncset.done $0x0  }
.LBB2_2:
0x49: {  	s16 =	sshra.s32 s15, $0x2;
	[sflag:s8] =	ssyncadd.s32 $0xFFFFFF83;
	p0 =	sne.s32 s15, $0x9E00  }
0x4a: {  	[spmem:s2] =	stream.indirect.scatter.add.f32 [tilespmem:s11], [sflag:$0x1], $0x1, s16, s10, $0xb8;
	[tilespmem:$0x2D80] =	vst v63  }
.Ltmp0:
0x4b: {  	_ = 	snop;
	(pc) =	sbr.rel @p0 .LBB2_2-.Ltmp0, $4  }
0x4c: {  	_ = 	snop  }
0x4d: {  	s15 =	sadd.s32 $0x200, s15  }
0x4e: {  	_ =	swait.ge [sflag:s8], $0x7D  }
0x4f: {  	[sflag:s8] =	ssyncset.done $0x0  }
0x50: {  	s14 =	sadd.s32 $0x1, s14  }
0x51: {  	[sflag:s8] =	ssyncadd.s32 $0xFFFFFF83;
	p0 =	sne.s32 s14, s7  }
.Ltmp1:
0x52: {  	[bflag:$0x0] =	sbarrier.arrive $0xFFFF;
	(pc) =	sbr.rel @p0 .LBB2_1-.Ltmp1, $4  }
0x53: {  	[hbm:s6], [sflag:s12] =	dma.local [spmem:s13], $0x50  }
0x54: {  	_ =	swait.ge [sflag:s8], $0x50  }
0x55: {  	[sflag:s8] =	ssyncset.done $0x0  }
0x56: {  	[sflag:s8] =	ssyncadd.s32 $0xFFFFFFB0  }
0x57: {  	_ =	sfence.sel $0x180000  }
0x58: {  	[bflag:$0x0] =	sbarrier.arrive $0xFFFF  }
0x59: {  	p0 =	sne.s32 s0, $0x0;
	_ =	strace $0x90000047  }
0x5a: {  	s0 =	sadd.s32 @!p0 $0x100000, s1;
	[bflag:$0x2] =	sbarrier.arrive $0xFFFF  }
0x5b: {  	[sflag:s0] =	ssyncadd.tile.s32 @!p0 $0x1;
	_ =	shalt  }
.Lfunc_end2:
_tile_overlayer_lowered:
.L_overlay_start_2:
0x5c: {  	(tag) =	ssettag $0x2  }
0x5d: {  	s0 =	rddreg [dreg:$0x0];
	s2 =	stileid.u32  }
0x5e: {  	s1 =	rddreg [dreg:$0x1];
	p0 =	sne.s32 s2, $0x0  }
0x5f: {  	s3 =	rddreg [dreg:$0x2];
	[bflag:$0x3] =	sbarrier.arrive $0xFFFF;
	s2 =	simm.s32 @!p0 $0x1C01  }
0x60: {  	[timem:s3], [sflag:s2] =	dma.local @!p0 [hbm:s0], s1  }
0x61: {  	s0 =	simm.s32 @!p0 $0x1  }
0x62: {  	_ =	swait.ge @!p0 [sflag:s0], s1  }
0x63: {  	s1 =	ssub.s32 @!p0 $0x0, s1;
	[sflag:s0] =	ssyncset.done @!p0 $0x0  }
0x64: {  	[sflag:s0] =	ssyncadd.s32 @!p0 s1  }
0x65: {  	[bflag:$0x3] =	sbarrier.arrive $0xFFFF  }
0x66: {  	_ =	shalt  }

// kernel: kernel.9.cloned.1.call-start
scs
__scs_entry_jumppad:
0x0: {  	(pc) =	sbr.rel $0x88, $3  }
0x1: {  	(tag) =	ssettag $0x0;
	lr =	simm.s32 $0x1  }
0x2: {  	[smem:$0x3F93] =	sst lr;
	_ =	strace $0xD0000000  }
0x3: {  	_ = 	snop  }
0x4: {  	_ = 	snop  }
0x5: {  	_ = 	snop  }
0x6: {  	_ = 	snop  }
0x7: {  	_ = 	snop  }
__scs_overlays_trampoline_lowered:
0x8: {  	[smem:$0x3FA2] =	sst s0  }
0x9: {  	[smem:$0x3FA3] =	sst s1  }
0xa: {  	[smem:$0x3FA4] =	sst s2  }
0xb: {  	[smem:$0x3FA5] =	sst s3  }
0xc: {  	[smem:$0x3FA6] =	sst s4  }
0xd: {  	[smem:$0x3FA7] =	sst s5  }
0xe: {  	[smem:$0x3FA8] =	sst s6  }
0xf: {  	[smem:$0x3FA9] =	sst s7  }
0x10: {  	[smem:$0x3FAA] =	sst s8  }
0x11: {  	[smem:$0x3FAB] =	sst s9;
	s0 =	simm.s32 @!p0 $0x0  }
0x12: {  	s1 =	sld [smem:$0x3F91];
	s0 =	simm.s32 @p0 $0x1  }
0x13: {  	[smem:$0x3FAC] =	sst s0;
	s0 =	simm.s32 @!p1 $0x0  }
0x14: {  	s2 =	sld [smem:$0x3F90];
	s0 =	simm.s32 @p1 $0x1  }
0x15: {  	[smem:$0x3FAD] =	sst s0;
	s0 =	simm.s32 @!p2 $0x0  }
0x16: {  	s3 =	sld [smem:$0x3FDB];
	s0 =	simm.s32 @p2 $0x1  }
0x17: {  	s4 =	simm.s32 $0x1BF5;
	[smem:$0x3FAF] =	sst s0  }
0x18: {  	s0 =	sld [smem:$0x3F92];
	_ =	swait.ge [sflag:s4], $0x0  }
0x19: {  	s7 =	sld [smem:$0x3F93]  }
0x1a: {  	s8 =	sadd.s32 $0xFFFFE003, lr  }
0x1b: {  	s9 =	sadd.s32 $0xFFFFFEF7, lr;
	s5 =	simm.s32 $0xFFFFFFFF;
	p2 =	slt.u32 s8, $0xFFFFF086  }
0x1c: {  	p1 =	slt.u32 s9, $0xF7A;
	s5 =	simm.s32 @!p2 $0x0  }
0x1d: {  	s5 =	simm.s32 @p1 $0x1;
	p0 =	seq.s32 s7, s2  }
0x1e: {  	s7 =	smul.u32 @!p0 $0xF7A, s2;
	p2 =	seq.s32 @!p0 s5, $0x0  }
0x1f: {  	s9 =	smul.u32 $0xF7A, s1;
	s8 =	simm.s32 @!p0 $0x1BF5;
	p2 =	por !p2, p0  }
0x20: {  	[sflag:s8] =	ssyncset.s32 @!p0 $0xFFFFF086;
	s6 =	sadd.s32 @!p0 s3, s7;
	s7 =	simm.s32 @!p0 $0x108  }
0x21: {  	s3 =	sadd.s32 s3, s9;
	s6 =	sadd.s32 @!p0 $0x88, s6;
	s7 =	simm.s32 @p2 $0x1082  }
0x22: {  	[simem:s7], [sflag:s8] =	dma.local @!p0 [hbm:s6], $0xF7A  }
0x23: {  	s9 =	sor.u32 $0xD0000000, s2;
	s6 =	simm.s32 $0x108;
	_ =	swait.ge @!p0 [sflag:s8], $0x0  }
0x24: {  	s3 =	sadd.s32 $0x88, s3;
	s6 =	simm.s32 @!p1 $0x1082;
	[sflag:s4] =	ssyncset.s32 $0xFFFFF086  }
0x25: {  	[simem:s6], [sflag:s4] =	dma.local [hbm:s3], $0xF7A  }
0x26: {  	[smem:$0x3F93] =	sst s1;
	(tag) =	ssettag s2;
	_ =	strace s9  }
0x27: {  	s1 =	sld [smem:$0x3FA3]  }
0x28: {  	s2 =	sld [smem:$0x3FA4]  }
0x29: {  	s4 =	sld [smem:$0x3FA6]  }
0x2a: {  	p0 =	seq.s32 s5, $0x0;
	s5 =	sld [smem:$0x3FA7]  }
0x2b: {  	s6 =	sld [smem:$0x3FA8]  }
0x2c: {  	s7 =	sld [smem:$0x3FA9]  }
0x2d: {  	s3 =	simm.s32 $0x108;
	s8 =	sld [smem:$0x3FAA]  }
0x2e: {  	s3 =	simm.s32 @!p0 $0x1082;
	s9 =	sld [smem:$0x3FAB]  }
0x2f: {  	lr =	sadd.s32 s0, s3;
	s0 =	sld [smem:$0x3FA2]  }
0x30: {  	s3 =	sld [smem:$0x3FA5]  }
0x31: {  	[smem:$0x3FAE] =	sst s10  }
0x32: {  	s10 =	sld [smem:$0x3FAC];
	_ =	sdelay $0x3  }
0x33: {  	p0 =	seq.s32 s10, $0x1;
	s10 =	sld [smem:$0x3FAE];
	_ =	sdelay $0x3  }
0x34: {  	[smem:$0x3FAE] =	sst s10  }
0x35: {  	s10 =	sld [smem:$0x3FAD];
	_ =	sdelay $0x3  }
0x36: {  	p1 =	seq.s32 s10, $0x1;
	s10 =	sld [smem:$0x3FAE];
	_ =	sdelay $0x3  }
0x37: {  	[smem:$0x3FAE] =	sst s10  }
0x38: {  	s10 =	sld [smem:$0x3FAF]  }
0x39: {  	_ = 	snop;
	(pc) =	sbr.ind lr, $3  }
0x3a: {  	_ = 	snop  }
0x3b: {  	_ = 	snop  }
0x3c: {  	p2 =	seq.s32 s10, $0x1;
	s10 =	sld [smem:$0x3FAE]  }
0x3d: {  	_ =	shalt  }
0x3e: {  	_ =	shalt  }
0x3f: {  	_ =	shalt  }
0x40: {  	_ =	shalt  }
0x41: {  	_ =	shalt  }
0x42: {  	_ =	shalt  }
0x43: {  	_ =	shalt  }
0x44: {  	_ =	shalt  }
0x45: {  	_ =	shalt  }
0x46: {  	_ =	shalt  }
0x47: {  	_ =	shalt  }
0x48: {  	_ =	shalt  }
0x49: {  	_ =	shalt  }
0x4a: {  	_ =	shalt  }
0x4b: {  	_ =	shalt  }
0x4c: {  	_ =	shalt  }
0x4d: {  	_ =	shalt  }
0x4e: {  	_ =	shalt  }
0x4f: {  	_ =	shalt  }
0x50: {  	_ =	shalt  }
0x51: {  	_ =	shalt  }
0x52: {  	_ =	shalt  }
0x53: {  	_ =	shalt  }
0x54: {  	_ =	shalt  }
0x55: {  	_ =	shalt  }
0x56: {  	_ =	shalt  }
0x57: {  	_ =	shalt  }
0x58: {  	_ =	shalt  }
0x59: {  	_ =	shalt  }
0x5a: {  	_ =	shalt  }
0x5b: {  	_ =	shalt  }
0x5c: {  	_ =	shalt  }
0x5d: {  	_ =	shalt  }
0x5e: {  	_ =	shalt  }
0x5f: {  	_ =	shalt  }
0x60: {  	_ =	shalt  }
0x61: {  	_ =	shalt  }
0x62: {  	_ =	shalt  }
0x63: {  	_ =	shalt  }
0x64: {  	_ =	shalt  }
0x65: {  	_ =	shalt  }
0x66: {  	_ =	shalt  }
0x67: {  	_ =	shalt  }
0x68: {  	_ =	shalt  }
0x69: {  	_ =	shalt  }
0x6a: {  	_ =	shalt  }
0x6b: {  	_ =	shalt  }
0x6c: {  	_ =	shalt  }
0x6d: {  	_ =	shalt  }
0x6e: {  	_ =	shalt  }
0x6f: {  	_ =	shalt  }
0x70: {  	_ =	shalt  }
0x71: {  	_ =	shalt  }
0x72: {  	_ =	shalt  }
0x73: {  	_ =	shalt  }
0x74: {  	_ =	shalt  }
0x75: {  	_ =	shalt  }
0x76: {  	_ =	shalt  }
0x77: {  	_ =	shalt  }
0x78: {  	_ =	shalt  }
0x79: {  	_ =	shalt  }
0x7a: {  	_ =	shalt  }
0x7b: {  	_ =	shalt  }
0x7c: {  	_ =	shalt  }
0x7d: {  	_ =	shalt  }
0x7e: {  	_ =	shalt  }
0x7f: {  	_ =	shalt  }
0x80: {  	_ =	shalt  }
0x81: {  	_ =	shalt  }
0x82: {  	_ =	shalt  }
0x83: {  	_ =	shalt  }
0x84: {  	_ =	shalt  }
0x85: {  	_ =	shalt  }
0x86: {  	_ =	shalt  }
0x87: {  	_ =	shalt  }
.Lfunc_end0:
.L_simem_size_0:
called_computation.1_lowered:
.L_overlay_start_0:
0x88: {  	s2 =	sld [smem:$0x3FD9]  }
0x89: {  	s3 =	sld [smem:$0x3FFE];
	_ =	sdelay $0x1  }
0x8a: {  	s1 =	srdreg.scid  }
0x8b: {  	s0 =	sand.u32 $0x1, s1  }
0x8c: {  	s17 =	sshll.u32 s0, $0xA;
	s2 =	sadd.s32 s3, s2  }
0x8d: {  	s2 =	sadd.s32 s2, s17  }
0x8e: {  	[smem:$0x3FBA] =	sst s2  }
0x8f: {  	_ = 	snop  }
0x90: {  	s2 =	sld [smem:$0x3FD0];
	(tm) =	ssettm $0x1  }
0x91: {  	s18 =	sld [smem:$0x3FFB];
	_ =	sdelay $0x3  }
0x92: {  	_ =	strace s18  }
0x93: {  	s3 =	sld [smem:$0x3FFC];
	_ =	sdelay $0x3  }
0x94: {  	_ =	strace s3  }
0x95: {  	s3 =	sld [smem:$0x3FFD];
	_ =	sdelay $0x3  }
0x96: {  	_ =	strace s3  }
0x97: {  	_ =	strace $0x8FFFFFFF  }
0x98: {  	s19 =	sld [smem:$0x3FDB];
	_ =	sdelay $0x1  }
0x99: {  	s4 =	simm.s32 $_scs_section_size  }
0x9a: {  	s5 =	simm.s32 $_size__tile_overlayer_lowered;
	s6 =	simm.s32 $_tile_overlayer_lowered  }
0x9b: {  	s22 =	simm.s32 $0x1BFF;
	s21 =	sshll.u32 s6, $0x1;
	s3 =	sadd.s32 s4, s19  }
0x9c: {  	s7 =	simm.s32 $0x0;
	s20 =	sshll.u32 s5, $0x1;
	s5 =	sadd.s32 s21, s3  }
0x9d: {  	[timem:s7], [sflag:s22] =	dma.local [hbm:s5], s20  }
0x9e: {  	_ =	swait.ge [sflag:s22], s20  }
0x9f: {  	s4 =	ssub.s32 $0x0, s20;
	[sflag:s22] =	ssyncset.done $0x0  }
0xa0: {  	[sflag:s22] =	ssyncadd.s32 s4;
	_ =	sdelay $0x1  }
0xa1: {  	s23 =	simm.s32 $0x1B8B  }
0xa2: {  	_ =	swait.ge [sflag:s23], $0x1  }
0xa3: {  	[sflag:s23] =	ssyncset.done $0x0  }
0xa4: {  	s25 =	simm.s32 $0x1B8E;
	s24 =	sld [smem:$0x3FFE];
	[sflag:s23] =	ssyncadd.s32 $0xFFFFFFFF  }
0xa5: {  	s26 =	simm.s32 $execute0_lowered;
	[smem:$0x3FD2] =	sst s25  }
0xa6: {  	s5 =	sshll.u32 s26, $0x1;
	_ =	strace $0x80000049;
	[dreg:$0x1] =	wrdreg $0xFFFFFFFF  }
0xa7: {  	s28 =	simm.s32 $_size_execute0_lowered;
	s3 =	sadd.s32 s3, s5;
	[dreg:$0x0] =	wrdreg $0x0  }
0xa8: {  	s5 =	sshll.u32 s28, $0x1;
	[dreg:$0x2] =	wrdreg s3  }
0xa9: {  	[dreg:$0x3] =	wrdreg s5  }
0xaa: {  	[dreg:$0x4] =	wrdreg $0xC0  }
0xab: {  	_ =	task [dreg:s7], $0x5FFFF  }
0xac: {  	[dreg:$0x1] =	wrdreg $0xFFFFFFFF  }
0xad: {  	[dreg:$0x0] =	wrdreg $0x60  }
0xae: {  	[dreg:$0x2] =	wrdreg s24  }
0xaf: {  	[dreg:$0x3] =	wrdreg s2  }
0xb0: {  	[dreg:$0x4] =	wrdreg $0xFE800  }
0xb1: {  	[dreg:$0x5] =	wrdreg $0x9  }
0xb2: {  	_ =	task.clear_ibuf [dreg:s7], $0x6FFFF;
	_ =	strace $0x90000049  }
0xb3: {  	s29 =	simm.s32 $0x9;
	_ =	strace $0x8000004B  }
0xb4: {  	_ =	swait.ge [sflag:s29], $0x1  }
0xb5: {  	[sflag:s29] =	ssyncadd.s32 $0xFFFFFFFF  }
0xb6: {  	_ =	strace $0x9000004B  }
0xb7: {  	_ =	sfence  }
0xb8: {  	s30 =	sld [smem:$0x0];
	_ =	sdelay $0x2  }
0xb9: {  	s31 =	sshll.u32 s1, $0xD;
	s1 =	sshrl.u32 s1, $0x2  }
0xba: {  	s3 =	sand.u32 $0x4000, s31;
	s1 =	sadd.s32 s1, s30  }
0xbb: {  	s0 =	sor.u32 s3, s0;
	s1 =	sshll.u32 s1, $0x11  }
0xbc: {  	s0 =	sor.u32 s1, s0  }
0xbd: {  	s0 =	sadd.s32 $0x8F2B, s0  }
0xbe: {  	[sflag:s0] =	ssyncadd.remote.s32 $0x1  }
0xbf: {  	_ =	sfence.sel $0xFFFF  }
0xc0: {  	[dreg:$0x0] =	wrdreg $0xFFFFFFFF;
	(pc) =	sbr.abs _section_cstart, $3  }
0xc1: {  	[dreg:$0x1] =	wrdreg $0xFFFFFFFF  }
0xc2: {  	_ =	task.clear_ibuf [dreg:s7], $0x2FFFF;
	_ =	strace $0x9FFFFFFF  }
0xc3: {  	(tm) =	ssettm $0x7FFFFFFF  }
tec
execute0_lowered:
.L_overlay_start_1:
0x0: {  	(tag) =	ssettag $0x1  }
0x1: {  	s5 =	rddreg [dreg:$0x0]  }
0x2: {  	s13 =	rddreg [dreg:$0x1]  }
0x3: {  	s0 =	stileid.u32;
	s2 =	rddreg [dreg:$0x2];
	s3 =	simm.s32 $0x0  }
0x4: {  	s6 =	srdreg.scid;
	s18 =	simm.s32 $0x7D;
	s19 =	simm.s32 $0xA000  }
0x5: {  	s20 =	simm.s32 $0xBF40;
	s21 =	simm.s32 $0x1;
	s22 =	simm.s32 $0x2  }
0x6: {  	s23 =	simm.s32 $0x4F80;
	s24 =	simm.s32 $0x9F00;
	s4 =	smul.u32 $0x5000, s0  }
0x7: {  	s25 =	simm.s32 $0x9F80;
	s26 =	simm.s32 $0x0;
	s9 =	smul.u32 $0x28000, s0  }
0x8: {  	[smem:$0x7FF] =	sst s3;
	s14 =	sand.u32 $0x1, s6;
	s11 =	smul.u32 $0xA000, s0  }
0x9: {  	_ =	strace $0x8000004A;
	s6 =	ssub.s32 $0x2, s14;
	s12 =	smul.u32 $0xA0000, s14  }
0xa: {  	p0 =	seq.s32 s14, $0x1;
	s4 =	sshrl.u32 s4, $0x3;
	s8 =	sshrl.u32 s6, $0x1  }
0xb: {  	s9 =	sshrl.u32 s9, $0x2;
	s7 =	sadd.s32 s4, s5;
	s4 =	sadd.s32 $0x16E00, s5  }
0xc: {  	s5 =	sadd.s32 $0x2A800, s5;
	s15 =	ssub.s32 s6, s8;
	s8 =	sadd.s32 s11, s2  }
.Ltmp0:
0xd: {  	s16 =	sadd.s32 s9, s2;
	s17 =	sadd.s32 s11, s12;
	(pc) =	sbr.rel .LBB2_1-.Ltmp0, $4  }
0xe: {  	s6 =	sadd.s32 $0x2E00, s7;
	s7 =	sadd.s32 $0xCE00, s7;
	s9 =	sadd.s32 $0x2000, s16  }
0xf: {  	s10 =	sadd.s32 $0x4000, s16;
	s11 =	sadd.s32 $0x6000, s16;
	s12 =	sadd.s32 $0x8000, s16  }
0x10: {  	s31 =	sshrl.u32 s17, $0x3;
	s14 =	smax.u32 s15, $0x1;
	s15 =	simm.s32 $0x3  }
0x11: {  	v0 =	vimm.f32 $0.0e+00;
	s16 =	simm.s32 $0x5000;
	s17 =	simm.s32 $0xDE80;
	s13 =	sadd.s32 s13, s31  }
.LBB2_6:
0x12: {  	s1 =	sadd.s32 $0x80, s28;
	[sflag:s15] =	ssyncadd.s32 $0xFFFFE0C0  }
0x13: {  	[tilespmem:s20], [sflag:$0x2] =	stream.indirect.gather [hbm4b:s4+s18], $0x40, s1, s18, $0xb8;
	[tilespmem:$0x19E80] =	vst v63  }
0x14: {  	_ =	swait.ge [sflag:s21], $0x1F40  }
0x15: {  	[sflag:s21] =	ssyncset.done $0x0  }
0x16: {  	s29 =	sadd.s32 $0x5000, s28;
	[sflag:s21] =	ssyncadd.s32 $0xFFFFE0C0  }
0x17: {  	[spmem:s2] =	stream.indirect.scatter.add.f32 [tilespmem:s19], [sflag:$0x3], $0x40, s29, s18, $0xb8;
	[tilespmem:$0x19E80] =	vst v63  }
0x18: {  	_ =	swait.ge [sflag:s15], $0x1F40  }
0x19: {  	[sflag:s15] =	ssyncset.done $0x0  }
0x1a: {  	s30 =	sadd.s32 $0x100, s28;
	[sflag:s15] =	ssyncadd.s32 $0xFFFFE0C0  }
0x1b: {  	[tilespmem:s19], [sflag:$0x1] =	stream.indirect.gather [hbm4b:s4+s18], $0x40, s30, s18, $0xb8;
	[tilespmem:$0x19E80] =	vst v63  }
0x1c: {  	_ =	swait.ge [sflag:s22], $0x1F40  }
0x1d: {  	[sflag:s22] =	ssyncset.done $0x0  }
0x1e: {  	s31 =	sadd.s32 $0x5080, s28;
	[sflag:s22] =	ssyncadd.s32 $0xFFFFE0C0  }
0x1f: {  	[spmem:s2] =	stream.indirect.scatter.add.f32 [tilespmem:s20], [sflag:$0x3], $0x40, s31, s18, $0xb8;
	[tilespmem:$0x19E80] =	vst v63  }
0x20: {  	_ =	swait.ge [sflag:s15], $0x1F40  }
0x21: {  	[sflag:s15] =	ssyncset.done $0x0  }
0x22: {  	[sflag:s15] =	ssyncadd.s32 $0xFFFFE0C0  }
0x23: {  	[tilespmem:s20], [sflag:$0x2] =	stream.indirect.gather [hbm4b:s4+s18], $0x40, s23, s18, $0xb8;
	[tilespmem:$0x19E80] =	vst v63  }
.LBB2_10:
0x24: {  	_ =	swait.ge [sflag:s21], $0x1F40  }
0x25: {  	[sflag:s21] =	ssyncset.done $0x0  }
0x26: {  	[sflag:s21] =	ssyncadd.s32 $0xFFFFE0C0  }
0x27: {  	[spmem:s2] =	stream.indirect.scatter.add.f32 [tilespmem:s19], [sflag:$0x3], $0x40, s24, s18, $0xb8;
	[tilespmem:$0x19E80] =	vst v63  }
0x28: {  	_ =	swait.ge [sflag:s15], $0x1F40  }
0x29: {  	[sflag:s15] =	ssyncset.done $0x0  }
0x2a: {  	[sflag:s15] =	ssyncadd.s32 $0xFFFFE0C0  }
0x2b: {  	_ =	swait.ge [sflag:s22], $0x1F40  }
0x2c: {  	[sflag:s22] =	ssyncset.done $0x0  }
0x2d: {  	[sflag:s22] =	ssyncadd.s32 $0xFFFFE0C0  }
0x2e: {  	[spmem:s2] =	stream.indirect.scatter.add.f32 [tilespmem:s20], [sflag:$0x3], $0x40, s25, s18, $0xb8;
	[tilespmem:$0x19E80] =	vst v63  }
0x2f: {  	_ =	swait.ge [sflag:s15], $0x1F40  }
0x30: {  	s1 =	sshll.u32 s0, $0x6;
	s26 =	sadd.s32 $0x1, s26;
	[sflag:s15] =	ssyncset.done $0x0  }
0x31: {  	s28 =	sshrl.u32 s8, $0x3;
	p1 =	sne.s32 s26, s14;
	[sflag:s15] =	ssyncadd.s32 $0xFFFFE0C0  }
.Ltmp1:
0x32: {  	s1 =	sor.u32 $0x1C03, s1;
	[bflag:$0x0] =	sbarrier.arrive $0xFFFF;
	(pc) =	sbr.rel @!p1 .LBB2_11-.Ltmp1, $4  }
0x33: {  	[hbm:s13], [sflag:s1] =	dma.local [spmem:s28], $0x1400  }
0x34: {  	_ =	swait.ge [sflag:s15], $0x1400  }
0x35: {  	[sflag:s15] =	ssyncset.done $0x0  }
0x36: {  	[sflag:s15] =	ssyncadd.s32 $0xFFFFEC00  }
.LBB2_1:
0x37: {  	[tilespmem:s3], [sflag:$0x3] =	stream.linear.gather [hbm4b:s6+s3], $0x5000, $0x38;
	[tilespmem:$0x19E80] =	vst v63  }
0x38: {  	_ =	swait.ge [sflag:s15], $0x5000  }
0x39: {  	[sflag:s15] =	ssyncset.done $0x0  }
0x3a: {  	[sflag:s15] =	ssyncadd.s32 $0xFFFFB000  }
0x3b: {  	[tilespmem:s16], [sflag:$0x3] =	stream.linear.gather [hbm4b:s7+s3], $0x5000, $0x38;
	[tilespmem:$0x19E80] =	vst v63  }
0x3c: {  	s28 =	sand.u32 $0x7F00, s3;
	s29 =	sand.u32 $0x30, s3;
	_ =	swait.ge [sflag:s15], $0x5000  }
0x3d: {  	s30 =	sshrl.u32 s28, $0x2;
	s28 =	simm.s32 $0x40;
	[sflag:s15] =	ssyncset.done $0x0  }
0x3e: {  	s30 =	sor.u32 s29, s30;
	s29 =	simm.s32 $0x0;
	[sflag:s15] =	ssyncadd.s32 $0xFFFFB000  }
.LBB2_2:
0x3f: {  	p1 =	sne.s32 s28, $0x7FC0  }
0x40: {  	[tilespmem:s30+$0xDE80] =	vst v0;
	s29 =	sadd.s32 $0x10, s29;
	s30 =	smov.u32 s28;
	s28 =	sadd.s32 $0x40, s28  }
.Ltmp2:
0x41: {  	(pc) =	sbr.rel @p1 .LBB2_2-.Ltmp2, $4  }
0x42: {  	_ = 	snop  }
0x43: {  	s30 =	sand.u32 $0x7F00, s30  }
0x44: {  	s31 =	sand.u32 $0x30, s29;
	s30 =	sshrl.u32 s30, $0x2  }
0x45: {  	s30 =	sor.u32 s31, s30  }
0x46: {  	[tilespmem:s30+$0xDE80] =	vst v0  }
0x47: {  	[spmem:s8] =	stream.linear.scatter [tilespmem:s17], [sflag:$0x3], $0x2000, $0x38;
	[tilespmem:$0x19E80] =	vst v63  }
0x48: {  	_ =	swait.ge [sflag:s15], $0x2000  }
0x49: {  	[sflag:s15] =	ssyncset.done $0x0  }
0x4a: {  	[sflag:s15] =	ssyncadd.s32 $0xFFFFE000  }
0x4b: {  	[spmem:s9] =	stream.linear.scatter [tilespmem:s17], [sflag:$0x3], $0x2000, $0x38;
	[tilespmem:$0x19E80] =	vst v63  }
0x4c: {  	_ =	swait.ge [sflag:s15], $0x2000  }
0x4d: {  	[sflag:s15] =	ssyncset.done $0x0  }
0x4e: {  	[sflag:s15] =	ssyncadd.s32 $0xFFFFE000  }
0x4f: {  	[spmem:s10] =	stream.linear.scatter [tilespmem:s17], [sflag:$0x3], $0x2000, $0x38;
	[tilespmem:$0x19E80] =	vst v63  }
0x50: {  	_ =	swait.ge [sflag:s15], $0x2000  }
0x51: {  	[sflag:s15] =	ssyncset.done $0x0  }
0x52: {  	[sflag:s15] =	ssyncadd.s32 $0xFFFFE000  }
0x53: {  	[spmem:s11] =	stream.linear.scatter [tilespmem:s17], [sflag:$0x3], $0x2000, $0x38;
	[tilespmem:$0x19E80] =	vst v63  }
0x54: {  	_ =	swait.ge [sflag:s15], $0x2000  }
0x55: {  	[sflag:s15] =	ssyncset.done $0x0  }
0x56: {  	[sflag:s15] =	ssyncadd.s32 $0xFFFFE000  }
0x57: {  	[spmem:s12] =	stream.linear.scatter [tilespmem:s17], [sflag:$0x3], $0x2000, $0x38;
	[tilespmem:$0x19E80] =	vst v63  }
.Ltmp3:
0x58: {  	_ =	swait.ge [sflag:s15], $0x2000;
	(pc) =	sbr.rel @!p0 .LBB2_4-.Ltmp3, $3  }
0x59: {  	[sflag:s15] =	ssyncset.done $0x0  }
0x5a: {  	[sflag:s15] =	ssyncadd.s32 $0xFFFFE000  }
0x5b: {  	[bflag:$0x0] =	sbarrier.arrive $0xFFFF;
	_ =	sdelay $0x1  }
0x5c: {  	s1 =	simm.s32 $0x0  }
0x5d: {  	[tilespmem:s19], [sflag:$0x1] =	stream.indirect.gather [hbm4b:s5+s18], $0x40, s1, s18, $0xb8;
	[tilespmem:$0x19E80] =	vst v63  }
0x5e: {  	s30 =	simm.s32 $0x80  }
0x5f: {  	[tilespmem:s20], [sflag:$0x2] =	stream.indirect.gather [hbm4b:s5+s18], $0x40, s30, s18, $0xb8;
	[tilespmem:$0x19E80] =	vst v63  }
0x60: {  	_ =	swait.ge [sflag:s21], $0x1F40  }
0x61: {  	[sflag:s21] =	ssyncset.done $0x0  }
0x62: {  	s31 =	simm.s32 $0x5000;
	[sflag:s21] =	ssyncadd.s32 $0xFFFFE0C0  }
0x63: {  	[spmem:s2] =	stream.indirect.scatter.add.f32 [tilespmem:s19], [sflag:$0x3], $0x40, s31, s18, $0xb8;
	[tilespmem:$0x19E80] =	vst v63  }
0x64: {  	_ =	swait.ge [sflag:s15], $0x1F40  }
0x65: {  	[sflag:s15] =	ssyncset.done $0x0  }
0x66: {  	s30 =	simm.s32 $0x100;
	[sflag:s15] =	ssyncadd.s32 $0xFFFFE0C0  }
0x67: {  	[tilespmem:s19], [sflag:$0x1] =	stream.indirect.gather [hbm4b:s5+s18], $0x40, s30, s18, $0xb8;
	[tilespmem:$0x19E80] =	vst v63  }
0x68: {  	_ =	swait.ge [sflag:s22], $0x1F40  }
0x69: {  	[sflag:s22] =	ssyncset.done $0x0  }
0x6a: {  	s31 =	simm.s32 $0x5080;
	[sflag:s22] =	ssyncadd.s32 $0xFFFFE0C0  }
0x6b: {  	[spmem:s2] =	stream.indirect.scatter.add.f32 [tilespmem:s20], [sflag:$0x3], $0x40, s31, s18, $0xb8;
	[tilespmem:$0x19E80] =	vst v63  }
0x6c: {  	_ =	swait.ge [sflag:s15], $0x1F40  }
0x6d: {  	s29 =	simm.s32 $0x800;
	s28 =	simm.s32 $0x100;
	[sflag:s15] =	ssyncset.done $0x0  }
.LBB2_8:
0x6e: {  	s1 =	sadd.s32 $0x80, s28  }
0x6f: {  	[sflag:s15] =	ssyncadd.s32 $0xFFFFE0C0;
	s30 =	smov.u32 s29;
	s31 =	sadd.s32 $0x400, s29  }
0x70: {  	[tilespmem:s20], [sflag:$0x2] =	stream.indirect.gather [hbm4b:s5+s18], $0x40, s1, s18, $0xb8;
	[tilespmem:$0x19E80] =	vst v63  }
0x71: {  	p1 =	sne.s32 s29, $0x13800;
	_ =	swait.ge [sflag:s21], $0x1F40  }
0x72: {  	[sflag:s21] =	ssyncset.done $0x0  }
0x73: {  	s1 =	sadd.s32 $0x5000, s28;
	[sflag:s21] =	ssyncadd.s32 $0xFFFFE0C0  }
0x74: {  	[spmem:s2] =	stream.indirect.scatter.add.f32 [tilespmem:s19], [sflag:$0x3], $0x40, s1, s18, $0xb8;
	[tilespmem:$0x19E80] =	vst v63  }
0x75: {  	_ =	swait.ge [sflag:s15], $0x1F40  }
0x76: {  	[sflag:s15] =	ssyncset.done $0x0  }
0x77: {  	s1 =	sadd.s32 $0x100, s28;
	[sflag:s15] =	ssyncadd.s32 $0xFFFFE0C0  }
0x78: {  	[tilespmem:s19], [sflag:$0x1] =	stream.indirect.gather [hbm4b:s5+s18], $0x40, s1, s18, $0xb8;
	[tilespmem:$0x19E80] =	vst v63  }
0x79: {  	_ =	swait.ge [sflag:s22], $0x1F40  }
.Ltmp4:
0x7a: {  	[sflag:s22] =	ssyncset.done $0x0;
	(pc) =	sbr.rel @p1 .LBB2_8-.Ltmp4, $4  }
0x7b: {  	s1 =	sadd.s32 $0x5080, s28;
	[sflag:s22] =	ssyncadd.s32 $0xFFFFE0C0  }
0x7c: {  	[spmem:s2] =	stream.indirect.scatter.add.f32 [tilespmem:s20], [sflag:$0x3], $0x40, s1, s18, $0xb8;
	[tilespmem:$0x19E80] =	vst v63  }
0x7d: {  	_ =	swait.ge [sflag:s15], $0x1F40  }
0x7e: {  	s29 =	smov.u32 s31;
	s28 =	sshra.s32 s30, $0x2;
	[sflag:s15] =	ssyncset.done $0x0  }
0x7f: {  	s1 =	sadd.s32 $0x80, s28;
	[sflag:s15] =	ssyncadd.s32 $0xFFFFE0C0  }
0x80: {  	[tilespmem:s20], [sflag:$0x2] =	stream.indirect.gather [hbm4b:s5+s18], $0x40, s1, s18, $0xb8;
	[tilespmem:$0x19E80] =	vst v63  }
0x81: {  	_ =	swait.ge [sflag:s21], $0x1F40  }
0x82: {  	[sflag:s21] =	ssyncset.done $0x0  }
0x83: {  	s29 =	sadd.s32 $0x5000, s28;
	[sflag:s21] =	ssyncadd.s32 $0xFFFFE0C0  }
0x84: {  	[spmem:s2] =	stream.indirect.scatter.add.f32 [tilespmem:s19], [sflag:$0x3], $0x40, s29, s18, $0xb8;
	[tilespmem:$0x19E80] =	vst v63  }
0x85: {  	_ =	swait.ge [sflag:s15], $0x1F40  }
0x86: {  	[sflag:s15] =	ssyncset.done $0x0  }
0x87: {  	s30 =	sadd.s32 $0x100, s28;
	[sflag:s15] =	ssyncadd.s32 $0xFFFFE0C0  }
0x88: {  	[tilespmem:s19], [sflag:$0x1] =	stream.indirect.gather [hbm4b:s5+s18], $0x40, s30, s18, $0xb8;
	[tilespmem:$0x19E80] =	vst v63  }
0x89: {  	_ =	swait.ge [sflag:s22], $0x1F40  }
0x8a: {  	[sflag:s22] =	ssyncset.done $0x0  }
0x8b: {  	s31 =	sadd.s32 $0x5080, s28;
	[sflag:s22] =	ssyncadd.s32 $0xFFFFE0C0  }
0x8c: {  	[spmem:s2] =	stream.indirect.scatter.add.f32 [tilespmem:s20], [sflag:$0x3], $0x40, s31, s18, $0xb8;
	[tilespmem:$0x19E80] =	vst v63  }
.Ltmp5:
0x8d: {  	_ = 	snop;
	(pc) =	sbr.rel .LBB2_10-.Ltmp5, $4  }
0x8e: {  	_ =	swait.ge [sflag:s15], $0x1F40  }
0x8f: {  	[sflag:s15] =	ssyncset.done $0x0  }
0x90: {  	[sflag:s15] =	ssyncadd.s32 $0xFFFFE0C0  }
0x91: {  	[tilespmem:s20], [sflag:$0x2] =	stream.indirect.gather [hbm4b:s5+s18], $0x40, s23, s18, $0xb8;
	[tilespmem:$0x19E80] =	vst v63  }
.LBB2_4:
0x92: {  	s28 =	simm.s32 $0x0  }
0x93: {  	[tilespmem:s19], [sflag:$0x1] =	stream.indirect.gather [hbm4b:s4+s18], $0x40, s28, s18, $0xb8;
	[tilespmem:$0x19E80] =	vst v63  }
0x94: {  	s28 =	simm.s32 $0x80  }
0x95: {  	[tilespmem:s20], [sflag:$0x2] =	stream.indirect.gather [hbm4b:s4+s18], $0x40, s28, s18, $0xb8;
	[tilespmem:$0x19E80] =	vst v63  }
0x96: {  	_ =	swait.ge [sflag:s21], $0x1F40  }
0x97: {  	[sflag:s21] =	ssyncset.done $0x0  }
0x98: {  	s28 =	simm.s32 $0x5000;
	[sflag:s21] =	ssyncadd.s32 $0xFFFFE0C0  }
0x99: {  	[spmem:s2] =	stream.indirect.scatter.add.f32 [tilespmem:s19], [sflag:$0x3], $0x40, s28, s18, $0xb8;
	[tilespmem:$0x19E80] =	vst v63  }
0x9a: {  	_ =	swait.ge [sflag:s15], $0x1F40  }
0x9b: {  	[sflag:s15] =	ssyncset.done $0x0  }
0x9c: {  	s28 =	simm.s32 $0x100;
	[sflag:s15] =	ssyncadd.s32 $0xFFFFE0C0  }
0x9d: {  	[tilespmem:s19], [sflag:$0x1] =	stream.indirect.gather [hbm4b:s4+s18], $0x40, s28, s18, $0xb8;
	[tilespmem:$0x19E80] =	vst v63  }
0x9e: {  	_ =	swait.ge [sflag:s22], $0x1F40  }
0x9f: {  	[sflag:s22] =	ssyncset.done $0x0  }
0xa0: {  	s28 =	simm.s32 $0x5080;
	[sflag:s22] =	ssyncadd.s32 $0xFFFFE0C0  }
0xa1: {  	[spmem:s2] =	stream.indirect.scatter.add.f32 [tilespmem:s20], [sflag:$0x3], $0x40, s28, s18, $0xb8;
	[tilespmem:$0x19E80] =	vst v63  }
0xa2: {  	_ =	swait.ge [sflag:s15], $0x1F40  }
0xa3: {  	s29 =	simm.s32 $0x800;
	s28 =	simm.s32 $0x100;
	[sflag:s15] =	ssyncset.done $0x0  }
.LBB2_5:
0xa4: {  	s30 =	sadd.s32 $0x80, s28  }
0xa5: {  	[sflag:s15] =	ssyncadd.s32 $0xFFFFE0C0;
	s31 =	smov.u32 s29;
	s1 =	sadd.s32 $0x400, s29  }
0xa6: {  	[tilespmem:s20], [sflag:$0x2] =	stream.indirect.gather [hbm4b:s4+s18], $0x40, s30, s18, $0xb8;
	[tilespmem:$0x19E80] =	vst v63  }
0xa7: {  	p1 =	seq.s32 s29, $0x13800;
	_ =	swait.ge [sflag:s21], $0x1F40  }
0xa8: {  	[sflag:s21] =	ssyncset.done $0x0  }
0xa9: {  	s29 =	sadd.s32 $0x5000, s28;
	[sflag:s21] =	ssyncadd.s32 $0xFFFFE0C0  }
0xaa: {  	[spmem:s2] =	stream.indirect.scatter.add.f32 [tilespmem:s19], [sflag:$0x3], $0x40, s29, s18, $0xb8;
	[tilespmem:$0x19E80] =	vst v63  }
0xab: {  	_ =	swait.ge [sflag:s15], $0x1F40  }
0xac: {  	[sflag:s15] =	ssyncset.done $0x0  }
0xad: {  	s29 =	sadd.s32 $0x100, s28;
	[sflag:s15] =	ssyncadd.s32 $0xFFFFE0C0  }
0xae: {  	[tilespmem:s19], [sflag:$0x1] =	stream.indirect.gather [hbm4b:s4+s18], $0x40, s29, s18, $0xb8;
	[tilespmem:$0x19E80] =	vst v63  }
0xaf: {  	_ =	swait.ge [sflag:s22], $0x1F40  }
.Ltmp6:
0xb0: {  	[sflag:s22] =	ssyncset.done $0x0;
	(pc) =	sbr.rel @!p1 .LBB2_5-.Ltmp6, $4  }
0xb1: {  	s28 =	sadd.s32 $0x5080, s28;
	[sflag:s22] =	ssyncadd.s32 $0xFFFFE0C0  }
0xb2: {  	[spmem:s2] =	stream.indirect.scatter.add.f32 [tilespmem:s20], [sflag:$0x3], $0x40, s28, s18, $0xb8;
	[tilespmem:$0x19E80] =	vst v63  }
0xb3: {  	_ =	swait.ge [sflag:s15], $0x1F40  }
0xb4: {  	s29 =	smov.u32 s1;
	s28 =	sshra.s32 s31, $0x2;
	[sflag:s15] =	ssyncset.done $0x0  }
.Ltmp7:
0xb5: {  	_ = 	snop;
	(pc) =	sbr.rel .LBB2_6-.Ltmp7, $1  }
0xb6: {  	_ =	sdelay $0x3  }
.LBB2_11:
0xb7: {  	_ =	sfence.sel $0x180000  }
0xb8: {  	[bflag:$0x0] =	sbarrier.arrive $0xFFFF  }
0xb9: {  	_ =	strace $0x9000004A  }
0xba: {  	[bflag:$0x2] =	sbarrier.arrive $0xFFFF  }
0xbb: {  	p0 =	sne.s32 s0, $0x0;
	s0 =	rddreg [dreg:$0x3]  }
0xbc: {  	s0 =	sadd.s32 @!p0 $0x100000, s0  }
0xbd: {  	[sflag:s0] =	ssyncadd.tile.s32 @!p0 $0x1;
	_ =	shalt  }
.Lfunc_end2:
_tile_overlayer_lowered:
.L_overlay_start_2:
0xbe: {  	(tag) =	ssettag $0x2  }
0xbf: {  	s0 =	rddreg [dreg:$0x0];
	s2 =	stileid.u32  }
0xc0: {  	s1 =	rddreg [dreg:$0x1];
	p0 =	sne.s32 s2, $0x0  }
0xc1: {  	s3 =	rddreg [dreg:$0x2];
	[bflag:$0x3] =	sbarrier.arrive $0xFFFF;
	s2 =	simm.s32 @!p0 $0x1C03  }
0xc2: {  	[timem:s3], [sflag:s2] =	dma.local @!p0 [hbm:s0], s1  }
0xc3: {  	s0 =	simm.s32 @!p0 $0x3  }
0xc4: {  	_ =	swait.ge @!p0 [sflag:s0], s1  }
0xc5: {  	s1 =	ssub.s32 @!p0 $0x0, s1;
	[sflag:s0] =	ssyncset.done @!p0 $0x0  }
0xc6: {  	[sflag:s0] =	ssyncadd.s32 @!p0 s1  }
0xc7: {  	[bflag:$0x3] =	sbarrier.arrive $0xFFFF  }
0xc8: {  	_ =	shalt  }

</sc_bundles>
